<compile_context>
chip_gen: v7x
topology: tpu7x:2x2x1
jax: 0.10.2.dev20260603
libtpu: 0.0.44.dev20260713+nightly
codegen_flags: <defaults>
</compile_context>

<pallas_src>
import jax
import jax.numpy as jnp
from jax import lax
from jax.experimental import pallas as pl
from jax.experimental.pallas import tpu as pltpu
from jax.experimental.pallas import tpu_sc as plsc

N = 10000
D = 256
H = 128
E = 160000
NC = 2
NS = 16
B = 128
CPT = 80
CAP = NS * CPT * B
NROW = 10240
DUMMY = N
RPT = NROW // NS
R = 1000
G = N // R


def _sc_mesh():
    return plsc.VectorSubcoreMesh(core_axis_name="c", subcore_axis_name="s")


def _deg_body(dst_hbm, out_hbm, hist, dstv, onesv, histv, compact):
    c = lax.axis_index("c")
    s = lax.axis_index("s")

    def fill_zero(i, carry):
        histv[i // 8, pl.ds((i % 8) * 16, 16)] = jnp.zeros((16,), jnp.float32)
        return carry

    lax.fori_loop(0, 64 * 8, fill_zero, 0)

    def fill_one(i, carry):
        onesv[i // 8, pl.ds((i % 8) * 16, 16)] = jnp.ones((16,), jnp.float32)
        return carry

    lax.fori_loop(0, B * 8, fill_one, 0)

    def zinit(i, carry):
        pltpu.sync_copy(histv, hist.at[pl.ds(s * RPT + i * 64, 64)])
        return carry

    lax.fori_loop(0, RPT // 64, zinit, 0)
    pltpu.sync_copy(dst_hbm.at[s], dstv)
    plsc.subcore_barrier()

    half = CPT // 2

    def chunk(i, carry):
        pltpu.sync_copy(onesv, hist.at[dstv.at[i + c * half]], add=True)
        return carry

    lax.fori_loop(0, half, chunk, 0)
    plsc.subcore_barrier()

    def pack(i, carry):
        pltpu.sync_copy(hist.at[pl.ds(s * RPT + i * 64, 64)], histv)

        def row(r, carry2):
            compact[r] = histv[r, pl.ds(0, 16)]
            return carry2

        lax.fori_loop(0, 64, row, 0)
        pltpu.sync_copy(compact, out_hbm.at[c, pl.ds(s * RPT + i * 64, 64)])
        return carry

    lax.fori_loop(0, RPT // 64, pack, 0)


def _deg_call(dst_p):
    k = pl.kernel(
        _deg_body,
        out_type=jax.ShapeDtypeStruct((NC, NROW, 16), jnp.float32),
        mesh=_sc_mesh(),
        scratch_types=[
            pltpu.VMEM_SHARED((NROW, 128), jnp.float32),
            pltpu.VMEM((CPT, B), jnp.int32),
            pltpu.VMEM((B, 128), jnp.float32),
            pltpu.VMEM((64, 128), jnp.float32),
            pltpu.VMEM((64, 16), jnp.float32),
        ],
    )
    return k(dst_p)


def _scat_body(y_hbm, src_hbm, dst_hbm, z_hbm, acc, srcv, dstv, rows, sem):
    c = lax.axis_index("c")
    s = lax.axis_index("s")
    base = c * NROW
    pltpu.sync_copy(y_hbm.at[pl.ds(base + s * RPT, RPT)],
                    acc.at[pl.ds(s * RPT, RPT)])
    pltpu.sync_copy(src_hbm.at[s], srcv)
    pltpu.sync_copy(dst_hbm.at[s], dstv)

    def off(i, carry):
        j = i // (B // 16)
        t = (i % (B // 16)) * 16
        srcv[j, pl.ds(t, 16)] = srcv[j, pl.ds(t, 16)] + base
        return carry

    lax.fori_loop(0, CPT * (B // 16), off, 0)
    plsc.subcore_barrier()

    def chunk(j, carry):
        pltpu.sync_copy(y_hbm.at[srcv.at[j]], rows)
        pltpu.sync_copy(rows, acc.at[dstv.at[j]], add=True)
        return carry

    lax.fori_loop(0, CPT, chunk, 0)
    plsc.subcore_barrier()
    pltpu.sync_copy(acc.at[pl.ds(s * RPT, RPT)],
                    z_hbm.at[c, pl.ds(s * RPT, RPT)])


def _scatter_call(y_cat, src_p, dst_p):
    k = pl.kernel(
        _scat_body,
        out_type=jax.ShapeDtypeStruct((NC, NROW, H), jnp.float32),
        mesh=_sc_mesh(),
        scratch_types=[
            pltpu.VMEM_SHARED((NROW, H), jnp.float32),
            pltpu.VMEM((CPT, B), jnp.int32),
            pltpu.VMEM((CPT, B), jnp.int32),
            pltpu.VMEM((B, H), jnp.float32),
            pltpu.SemaphoreType.DMA,
        ],
    )
    return k(y_cat, src_p, dst_p)


def _dinv(d_ref):
    return lax.rsqrt(1.0 + d_ref[0, :, 0:1] + d_ref[1, :, 0:1])


def _mm_scale_body(x_ref, w_ref, d_ref, o_ref):
    y = jnp.dot(x_ref[...], w_ref[...], preferred_element_type=jnp.float32)
    o_ref[0] = y * _dinv(d_ref)


def _mm_scale(x, W, degp):
    return pl.pallas_call(
        _mm_scale_body,
        grid=(G, 2),
        in_specs=[
            pl.BlockSpec((R, D), lambda i, j: (i, 0)),
            pl.BlockSpec((D, H), lambda i, j: (0, j)),
            pl.BlockSpec((2, R, 16), lambda i, j: (0, i, 0)),
        ],
        out_specs=pl.BlockSpec((1, R, H), lambda i, j: (j, i, 0)),
        out_shape=jax.ShapeDtypeStruct((NC, NROW, H), jnp.float32),
    )(x, W, degp)


def _ln_relu(z, dinv, b_ref, g_ref, be_ref):
    h = z * dinv + b_ref[...]
    m = jnp.mean(h, axis=1, keepdims=True)
    hc = h - m
    v = jnp.mean(hc * hc, axis=1, keepdims=True)
    hn = hc * lax.rsqrt(v + 1e-5) * g_ref[...] + be_ref[...]
    return jnp.maximum(hn, 0.0)


def _finish_mm_body(z0_ref, z1_ref, d_ref, b_ref, g_ref, be_ref, w_ref,
                    h_ref, y2_ref):
    dinv = _dinv(d_ref)
    z = jnp.concatenate([z0_ref[0], z1_ref[0]], axis=1)
    h1 = _ln_relu(z, dinv, b_ref, g_ref, be_ref)
    h_ref[...] = h1
    y2 = jnp.dot(h1, w_ref[...], preferred_element_type=jnp.float32) * dinv
    y2_ref[...] = jnp.stack([y2[:, :H], y2[:, H:]], axis=0)


def _finish_mm(z3, degp, b, g, be, W):
    return pl.pallas_call(
        _finish_mm_body,
        grid=(G,),
        in_specs=[
            pl.BlockSpec((1, R, H), lambda i: (0, i, 0)),
            pl.BlockSpec((1, R, H), lambda i: (1, i, 0)),
            pl.BlockSpec((2, R, 16), lambda i: (0, i, 0)),
            pl.BlockSpec((1, D), lambda i: (0, 0)),
            pl.BlockSpec((1, D), lambda i: (0, 0)),
            pl.BlockSpec((1, D), lambda i: (0, 0)),
            pl.BlockSpec((D, D), lambda i: (0, 0)),
        ],
        out_specs=[
            pl.BlockSpec((R, D), lambda i: (i, 0)),
            pl.BlockSpec((2, R, H), lambda i: (0, i, 0)),
        ],
        out_shape=[
            jax.ShapeDtypeStruct((N, D), jnp.float32),
            jax.ShapeDtypeStruct((NC, NROW, H), jnp.float32),
        ],
    )(z3, z3, degp, b, g, be, W)


def _finish_body(z0_ref, z1_ref, d_ref, b_ref, g_ref, be_ref, h_ref):
    dinv = _dinv(d_ref)
    z = jnp.concatenate([z0_ref[0], z1_ref[0]], axis=1)
    h_ref[...] = _ln_relu(z, dinv, b_ref, g_ref, be_ref)


def _finish(z3, degp, b, g, be):
    return pl.pallas_call(
        _finish_body,
        grid=(G,),
        in_specs=[
            pl.BlockSpec((1, R, H), lambda i: (0, i, 0)),
            pl.BlockSpec((1, R, H), lambda i: (1, i, 0)),
            pl.BlockSpec((2, R, 16), lambda i: (0, i, 0)),
            pl.BlockSpec((1, D), lambda i: (0, 0)),
            pl.BlockSpec((1, D), lambda i: (0, 0)),
            pl.BlockSpec((1, D), lambda i: (0, 0)),
        ],
        out_specs=pl.BlockSpec((R, D), lambda i: (i, 0)),
        out_shape=jax.ShapeDtypeStruct((N, D), jnp.float32),
    )(z3, z3, degp, b, g, be)


def kernel(x, edge_index, W1, b1, W2, b2, gamma, beta):
    src = edge_index[0].astype(jnp.int32)
    dst = edge_index[1].astype(jnp.int32)
    pad = CAP - E
    src_r = jnp.concatenate([src, jnp.zeros((pad,), jnp.int32)]).reshape(NS, CPT * B)
    dst_r = jnp.concatenate([dst, jnp.full((pad,), DUMMY, jnp.int32)]).reshape(NS, CPT * B)
    src_p = src_r.reshape(NS, CPT, B)
    dst_p = dst_r.reshape(NS, CPT, B)

    degp = _deg_call(dst_p)

    b1r = b1.reshape(1, D)
    b2r = b2.reshape(1, D)
    gr = gamma.reshape(1, D)
    ber = beta.reshape(1, D)

    y1 = _mm_scale(x, W1, degp)
    z1 = _scatter_call(y1.reshape(NC * NROW, H), src_p, dst_p)
    h1, y2s = _finish_mm(z1, degp, b1r, gr, ber, W2)
    z2 = _scatter_call(y2s.reshape(NC * NROW, H), src_p, dst_p)
    h2 = _finish(z2, degp, b2r, gr, ber)
    return (h1, h2)

# --- scband reference (transcript-rebuilt; emitter-appended) ---
"""Pipeline reference for scband-lower-encoder-32349693674039 (READ-ONLY COPY).

The authoritative reference and input builder live on the scoring server;
editing this copy changes nothing except your own understanding.
"""

import jax, jax.numpy as jnp
import numpy as np

N = 10000
E = 160000
D = 256


def setup_inputs(seed: int = 0) -> dict:
    key = jax.random.key(seed)
    ks = jax.random.split(key, 8)
    x = jax.random.normal(ks[0], (N, D), dtype=jnp.float32)
    edge_index = jax.random.randint(ks[1], (2, E), 0, N)
    W1 = jax.random.normal(ks[2], (D, D), dtype=jnp.float32) * (1.0 / np.sqrt(D))
    b1 = jnp.zeros((D,), dtype=jnp.float32)
    W2 = jax.random.normal(ks[3], (D, D), dtype=jnp.float32) * (1.0 / np.sqrt(D))
    b2 = jnp.zeros((D,), dtype=jnp.float32)
    gamma = jnp.ones((D,), dtype=jnp.float32)
    beta = jnp.zeros((D,), dtype=jnp.float32)
    return {"x": x, "edge_index": edge_index, "W1": W1, "b1": b1, "W2": W2, "b2": b2, "gamma": gamma, "beta": beta}


def _gcn_propagate(h, src, dst, n):
    # PyG GCNConv: add self-loops, symmetric normalization D^-1/2 (A+I) D^-1/2
    loop = jnp.arange(n, dtype=src.dtype)
    src_f = jnp.concatenate([src, loop])
    dst_f = jnp.concatenate([dst, loop])
    ones = jnp.ones(src_f.shape[0], dtype=h.dtype)
    deg = jnp.zeros((n,), dtype=h.dtype).at[dst_f].add(ones)
    dinv = jnp.where(deg > 0, 1.0 / jnp.sqrt(deg), 0.0)
    norm = dinv[src_f] * dinv[dst_f]
    msgs = h[src_f] * norm[:, None]
    return jnp.zeros((n, h.shape[1]), dtype=h.dtype).at[dst_f].add(msgs)


def _layer_norm(x, g, b, eps=1e-5):
    m = jnp.mean(x, axis=-1, keepdims=True)
    v = jnp.mean((x - m) ** 2, axis=-1, keepdims=True)
    return (x - m) / jnp.sqrt(v + eps) * g + b


def reference(x, edge_index, W1, b1, W2, b2, gamma, beta):
    src = edge_index[0]
    dst = edge_index[1]
    n = x.shape[0]
    h = _gcn_propagate(x @ W1, src, dst, n) + b1
    h1_0 = jax.nn.relu(_layer_norm(h, gamma, beta))
    h = _gcn_propagate(h1_0 @ W2, src, dst, n) + b2
    h2_0 = jax.nn.relu(_layer_norm(h, gamma, beta))
    return (h1_0, h2_0)

if __name__ == "__main__":
    import jax
    _d = setup_inputs()
    print(jax.jit(kernel)(*tuple(_d.values())))

</pallas_src>

<mosaic_0001>
#map = affine_map<(d0, d1) -> (0, 0, 0)>
module attributes {stable_mosaic.version = 14 : i64} {
  func.func @_deg_body(%arg0: i32, %arg1: i32, %arg2: memref<16x80x128xi32, #tpu.memory_space<hbm>>, %arg3: memref<2x10240x16xf32, #tpu.memory_space<hbm>>, %arg4: memref<10240x128xf32, #tpu.memory_space<vmem_shared>>, %arg5: memref<80x128xi32, #tpu.memory_space<vmem>>, %arg6: memref<128x128xf32, #tpu.memory_space<vmem>>, %arg7: memref<64x128xf32, #tpu.memory_space<vmem>>, %arg8: memref<64x16xf32, #tpu.memory_space<vmem>>) attributes {dimension_semantics = [#tpu.dimension_semantics<core_parallel>, #tpu.dimension_semantics<subcore_parallel>], iteration_bounds = array<i64: 2, 16>, scalar_prefetch = 0 : i64, scratch_operands = 5 : i64, tpu.core_type = #tpu.core_type<sc_vector_subcore>, window_params = [{transform_indices = #map}, {transform_indices = #map}]} {
    %scan3A = arith.constant 0 : i32
    %scan3A_0 = arith.constant 0 : i32
    %scan3A_1 = arith.constant 512 : i32
    %scan3A_2 = arith.addi %scan3A_0, %scan3A_1 : i32
    %scan3A_3 = arith.constant 1 : i32
    scf.for %scan3A_30 = %scan3A_0 to %scan3A_2 step %scan3A_3  : i32 {
      %broadcast_in_dim3A = arith.constant 0.000000e+00 : f32
      %broadcast_in_dim3A_31 = vector.broadcast %broadcast_in_dim3A : f32 to vector<16xf32>
      %jit3A = arith.constant 8 : i32
      %div3A = arith.divsi %scan3A_30, %jit3A : i32
      %sign3A = arith.constant 0 : i32
      %sign3A_32 = arith.cmpi sgt, %scan3A_30, %sign3A : i32
      %sign3A_33 = arith.extui %sign3A_32 : i1 to i32
      %sign3A_34 = arith.constant 0 : i32
      %sign3A_35 = arith.cmpi slt, %scan3A_30, %sign3A_34 : i32
      %sign3A_36 = arith.extui %sign3A_35 : i1 to i32
      %sign3A_37 = arith.subi %sign3A_33, %sign3A_36 : i32
      %sign3A_38 = arith.constant 0 : i32
      %sign3A_39 = arith.cmpi sgt, %jit3A, %sign3A_38 : i32
      %sign3A_40 = arith.extui %sign3A_39 : i1 to i32
      %sign3A_41 = arith.constant 0 : i32
      %sign3A_42 = arith.cmpi slt, %jit3A, %sign3A_41 : i32
      %sign3A_43 = arith.extui %sign3A_42 : i1 to i32
      %sign3A_44 = arith.subi %sign3A_40, %sign3A_43 : i32
      %ne3A = arith.cmpi ne, %sign3A_37, %sign3A_44 : i32
      %rem3A = arith.remsi %scan3A_30, %jit3A : i32
      %ne3A_45 = arith.constant 0 : i32
      %ne3A_46 = arith.cmpi ne, %rem3A, %ne3A_45 : i32
      %and3A = arith.andi %ne3A, %ne3A_46 : i1
      %sub3A = arith.constant 1 : i32
      %sub3A_47 = arith.subi %div3A, %sub3A : i32
      %select_n3A = arith.select %and3A, %sub3A_47, %div3A : i32
      %jit3A_48 = arith.constant 8 : i32
      %eq3A = arith.constant 0 : i32
      %eq3A_49 = arith.cmpi eq, %jit3A_48, %eq3A : i32
      %jit3A_50 = arith.constant 1 : i32
      %select_n3A_51 = arith.select %eq3A_49, %jit3A_50, %jit3A_48 : i32
      %rem3A_52 = arith.remsi %scan3A_30, %select_n3A_51 : i32
      %ne3A_53 = arith.constant 0 : i32
      %ne3A_54 = arith.cmpi ne, %rem3A_52, %ne3A_53 : i32
      %lt3A = arith.constant 0 : i32
      %lt3A_55 = arith.cmpi slt, %rem3A_52, %lt3A : i32
      %lt3A_56 = arith.constant 0 : i32
      %lt3A_57 = arith.cmpi slt, %select_n3A_51, %lt3A_56 : i32
      %ne3A_58 = arith.xori %lt3A_55, %lt3A_57 : i1
      %and3A_59 = arith.andi %ne3A_58, %ne3A_54 : i1
      %add3A = arith.addi %rem3A_52, %select_n3A_51 : i32
      %select_n3A_60 = arith.select %and3A_59, %add3A, %rem3A_52 : i32
      %mul3A = arith.constant 16 : i32
      %mul3A_61 = arith.muli %select_n3A_60, %mul3A : i32
      %swap3A = arith.index_cast %select_n3A : i32 to index
      %swap3A_62 = arith.index_cast %mul3A_61 : i32 to index
      %swap3A_63 = tpu.vector_load %arg7[%swap3A, %swap3A_62] {strides = array<i32>} : memref<64x128xf32, #tpu.memory_space<vmem>>, vector<1x16xf32>,
      %swap3A_64 = vector.shape_cast %swap3A_63 : vector<1x16xf32> to vector<16xf32>
      %swap3A_65 = vector.shape_cast %broadcast_in_dim3A_31 : vector<16xf32> to vector<1x16xf32>
      tpu.vector_store %arg7[%swap3A, %swap3A_62], %swap3A_65 {strides = array<i32>} : memref<64x128xf32, #tpu.memory_space<vmem>>, vector<1x16xf32>,
    }
    %scan3A_4 = arith.constant 512 : i32
    %scan3A_5 = arith.constant 0 : i32
    %scan3A_6 = arith.constant 0 : i32
    %scan3A_7 = arith.constant 1024 : i32
    %scan3A_8 = arith.addi %scan3A_6, %scan3A_7 : i32
    %scan3A_9 = arith.constant 1 : i32
    scf.for %scan3A_30 = %scan3A_6 to %scan3A_8 step %scan3A_9  : i32 {
      %broadcast_in_dim3A = arith.constant 1.000000e+00 : f32
      %broadcast_in_dim3A_31 = vector.broadcast %broadcast_in_dim3A : f32 to vector<16xf32>
      %jit3A = arith.constant 8 : i32
      %div3A = arith.divsi %scan3A_30, %jit3A : i32
      %sign3A = arith.constant 0 : i32
      %sign3A_32 = arith.cmpi sgt, %scan3A_30, %sign3A : i32
      %sign3A_33 = arith.extui %sign3A_32 : i1 to i32
      %sign3A_34 = arith.constant 0 : i32
      %sign3A_35 = arith.cmpi slt, %scan3A_30, %sign3A_34 : i32
      %sign3A_36 = arith.extui %sign3A_35 : i1 to i32
      %sign3A_37 = arith.subi %sign3A_33, %sign3A_36 : i32
      %sign3A_38 = arith.constant 0 : i32
      %sign3A_39 = arith.cmpi sgt, %jit3A, %sign3A_38 : i32
      %sign3A_40 = arith.extui %sign3A_39 : i1 to i32
      %sign3A_41 = arith.constant 0 : i32
      %sign3A_42 = arith.cmpi slt, %jit3A, %sign3A_41 : i32
      %sign3A_43 = arith.extui %sign3A_42 : i1 to i32
      %sign3A_44 = arith.subi %sign3A_40, %sign3A_43 : i32
      %ne3A = arith.cmpi ne, %sign3A_37, %sign3A_44 : i32
      %rem3A = arith.remsi %scan3A_30, %jit3A : i32
      %ne3A_45 = arith.constant 0 : i32
      %ne3A_46 = arith.cmpi ne, %rem3A, %ne3A_45 : i32
      %and3A = arith.andi %ne3A, %ne3A_46 : i1
      %sub3A = arith.constant 1 : i32
      %sub3A_47 = arith.subi %div3A, %sub3A : i32
      %select_n3A = arith.select %and3A, %sub3A_47, %div3A : i32
      %jit3A_48 = arith.constant 8 : i32
      %eq3A = arith.constant 0 : i32
      %eq3A_49 = arith.cmpi eq, %jit3A_48, %eq3A : i32
      %jit3A_50 = arith.constant 1 : i32
      %select_n3A_51 = arith.select %eq3A_49, %jit3A_50, %jit3A_48 : i32
      %rem3A_52 = arith.remsi %scan3A_30, %select_n3A_51 : i32
      %ne3A_53 = arith.constant 0 : i32
      %ne3A_54 = arith.cmpi ne, %rem3A_52, %ne3A_53 : i32
      %lt3A = arith.constant 0 : i32
      %lt3A_55 = arith.cmpi slt, %rem3A_52, %lt3A : i32
      %lt3A_56 = arith.constant 0 : i32
      %lt3A_57 = arith.cmpi slt, %select_n3A_51, %lt3A_56 : i32
      %ne3A_58 = arith.xori %lt3A_55, %lt3A_57 : i1
      %and3A_59 = arith.andi %ne3A_58, %ne3A_54 : i1
      %add3A = arith.addi %rem3A_52, %select_n3A_51 : i32
      %select_n3A_60 = arith.select %and3A_59, %add3A, %rem3A_52 : i32
      %mul3A = arith.constant 16 : i32
      %mul3A_61 = arith.muli %select_n3A_60, %mul3A : i32
      %swap3A = arith.index_cast %select_n3A : i32 to index
      %swap3A_62 = arith.index_cast %mul3A_61 : i32 to index
      %swap3A_63 = tpu.vector_load %arg6[%swap3A, %swap3A_62] {strides = array<i32>} : memref<128x128xf32, #tpu.memory_space<vmem>>, vector<1x16xf32>,
      %swap3A_64 = vector.shape_cast %swap3A_63 : vector<1x16xf32> to vector<16xf32>
      %swap3A_65 = vector.shape_cast %broadcast_in_dim3A_31 : vector<16xf32> to vector<1x16xf32>
      tpu.vector_store %arg6[%swap3A, %swap3A_62], %swap3A_65 {strides = array<i32>} : memref<128x128xf32, #tpu.memory_space<vmem>>, vector<1x16xf32>,
    }
    %scan3A_10 = arith.constant 1024 : i32
    %scan3A_11 = arith.constant 0 : i32
    %scan3A_12 = arith.constant 0 : i32
    %scan3A_13 = arith.constant 10 : i32
    %scan3A_14 = arith.addi %scan3A_12, %scan3A_13 : i32
    %scan3A_15 = arith.constant 1 : i32
    scf.for %scan3A_30 = %scan3A_12 to %scan3A_14 step %scan3A_15  : i32 {
      %mul3A = arith.constant 640 : i32
      %mul3A_31 = arith.muli %arg1, %mul3A : i32
      %mul3A_32 = arith.constant 64 : i32
      %mul3A_33 = arith.muli %scan3A_30, %mul3A_32 : i32
      %add3A = arith.addi %mul3A_31, %mul3A_33 : i32
      "tpu.region"() ({
        %run_scoped3A = tpu.sem_alloc : memref<!tpu.dma_semaphore, #tpu.memory_space<semaphore_mem>>
        %dma_start3A = arith.constant 0 : i32
        %dma_start3A_34 = tpu.memref_slice %arg4[%add3A, %dma_start3A] : memref<10240x128xf32, #tpu.memory_space<vmem_shared>> -> memref<64x128xf32, #tpu.memory_space<vmem_shared>>
        %dma_start3A_35 = arith.constant 0 : i32
        %dma_start3A_36 = tpu.memref_slice %arg4[%add3A, %dma_start3A_35] : memref<10240x128xf32, #tpu.memory_space<vmem_shared>> -> memref<64x128xf32, #tpu.memory_space<vmem_shared>>
        tpu.enqueue_dma source(%arg7 : memref<64x128xf32, #tpu.memory_space<vmem>>) target(%dma_start3A_36 : memref<64x128xf32, #tpu.memory_space<vmem_shared>>) target_semaphore(%run_scoped3A : memref<!tpu.dma_semaphore, #tpu.memory_space<semaphore_mem>>)
        %dma_wait3A = arith.constant 0 : i32
        %dma_wait3A_37 = tpu.memref_slice %arg4[%add3A, %dma_wait3A] : memref<10240x128xf32, #tpu.memory_space<vmem_shared>> -> memref<64x128xf32, #tpu.memory_space<vmem_shared>>
        %dma_wait3A_38 = arith.constant 0 : i32
        %dma_wait3A_39 = tpu.memref_slice %arg4[%add3A, %dma_wait3A_38] : memref<10240x128xf32, #tpu.memory_space<vmem_shared>> -> memref<64x128xf32, #tpu.memory_space<vmem_shared>>
        tpu.wait_dma2 semaphore(%run_scoped3A : memref<!tpu.dma_semaphore, #tpu.memory_space<semaphore_mem>>) src(%arg7 : memref<64x128xf32, #tpu.memory_space<vmem>>) dst(%dma_wait3A_39 : memref<64x128xf32, #tpu.memory_space<vmem_shared>>)
        tpu.yield
      }) : () -> ()
    }
    %scan3A_16 = arith.constant 10 : i32
    "tpu.region"() ({
      %run_scoped3A = tpu.sem_alloc : memref<!tpu.dma_semaphore, #tpu.memory_space<semaphore_mem>>
      %dma_start3A = arith.constant 0 : i32
      %dma_start3A_30 = arith.constant 0 : i32
      %dma_start3A_31 = tpu.memref_slice %arg2[%arg1, %dma_start3A, %dma_start3A_30] : memref<16x80x128xi32, #tpu.memory_space<hbm>> -> memref<1x80x128xi32, #tpu.memory_space<hbm>>
      %dma_start3A_32 = tpu.memref_squeeze %dma_start3A_31 : memref<1x80x128xi32, #tpu.memory_space<hbm>> -> memref<80x128xi32, #tpu.memory_space<hbm>>
      %dma_start3A_33 = arith.constant 0 : i32
      %dma_start3A_34 = arith.constant 0 : i32
      %dma_start3A_35 = tpu.memref_slice %arg2[%arg1, %dma_start3A_33, %dma_start3A_34] : memref<16x80x128xi32, #tpu.memory_space<hbm>> -> memref<1x80x128xi32, #tpu.memory_space<hbm>>
      %dma_start3A_36 = tpu.memref_squeeze %dma_start3A_35 : memref<1x80x128xi32, #tpu.memory_space<hbm>> -> memref<80x128xi32, #tpu.memory_space<hbm>>
      tpu.enqueue_dma source(%dma_start3A_36 : memref<80x128xi32, #tpu.memory_space<hbm>>) target(%arg5 : memref<80x128xi32, #tpu.memory_space<vmem>>) target_semaphore(%run_scoped3A : memref<!tpu.dma_semaphore, #tpu.memory_space<semaphore_mem>>)
      %dma_wait3A = arith.constant 0 : i32
      %dma_wait3A_37 = arith.constant 0 : i32
      %dma_wait3A_38 = tpu.memref_slice %arg2[%arg1, %dma_wait3A, %dma_wait3A_37] : memref<16x80x128xi32, #tpu.memory_space<hbm>> -> memref<1x80x128xi32, #tpu.memory_space<hbm>>
      %dma_wait3A_39 = tpu.memref_squeeze %dma_wait3A_38 : memref<1x80x128xi32, #tpu.memory_space<hbm>> -> memref<80x128xi32, #tpu.memory_space<hbm>>
      %dma_wait3A_40 = arith.constant 0 : i32
      %dma_wait3A_41 = arith.constant 0 : i32
      %dma_wait3A_42 = tpu.memref_slice %arg2[%arg1, %dma_wait3A_40, %dma_wait3A_41] : memref<16x80x128xi32, #tpu.memory_space<hbm>> -> memref<1x80x128xi32, #tpu.memory_space<hbm>>
      %dma_wait3A_43 = tpu.memref_squeeze %dma_wait3A_42 : memref<1x80x128xi32, #tpu.memory_space<hbm>> -> memref<80x128xi32, #tpu.memory_space<hbm>>
      tpu.wait_dma2 semaphore(%run_scoped3A : memref<!tpu.dma_semaphore, #tpu.memory_space<semaphore_mem>>) src(%dma_wait3A_43 : memref<80x128xi32, #tpu.memory_space<hbm>>) dst(%arg5 : memref<80x128xi32, #tpu.memory_space<vmem>>)
      tpu.yield
    }) : () -> ()
    %barrier3A = arith.constant 0 : index
    tpu.barrier barrier_id(%barrier3A)
    %scan3A_17 = arith.constant 0 : i32
    %scan3A_18 = arith.constant 0 : i32
    %scan3A_19 = arith.constant 40 : i32
    %scan3A_20 = arith.addi %scan3A_18, %scan3A_19 : i32
    %scan3A_21 = arith.constant 1 : i32
    scf.for %scan3A_30 = %scan3A_18 to %scan3A_20 step %scan3A_21  : i32 {
      %mul3A = arith.constant 40 : i32
      %mul3A_31 = arith.muli %arg0, %mul3A : i32
      %add3A = arith.addi %scan3A_30, %mul3A_31 : i32
      "tpu.region"() ({
        %run_scoped3A = tpu.sem_alloc : memref<!tpu.dma_semaphore, #tpu.memory_space<semaphore_mem>>
        %dma_start3A = arith.constant 0 : i32
        %dma_start3A_32 = tpu.memref_slice %arg5[%add3A, %dma_start3A] : memref<80x128xi32, #tpu.memory_space<vmem>> -> memref<1x128xi32, #tpu.memory_space<vmem>>
        %dma_start3A_33 = tpu.memref_squeeze %dma_start3A_32 : memref<1x128xi32, #tpu.memory_space<vmem>> -> memref<128xi32, #tpu.memory_space<vmem>>
        %dma_start3A_34 = arith.constant 0 : i32
        %dma_start3A_35 = arith.constant 0 : i32
        %dma_start3A_36 = tpu.memref_slice %arg4[%dma_start3A_34, %dma_start3A_35] : memref<10240x128xf32, #tpu.memory_space<vmem_shared>> -> memref<10240x128xf32, #tpu.memory_space<vmem_shared>>
        tpu.enqueue_indirect_dma source(%arg6 : memref<128x128xf32, #tpu.memory_space<vmem>>) target(%dma_start3A_36 : memref<10240x128xf32, #tpu.memory_space<vmem_shared>>) offsets(%dma_start3A_33 : memref<128xi32, #tpu.memory_space<vmem>>) semaphore(%run_scoped3A : memref<!tpu.dma_semaphore, #tpu.memory_space<semaphore_mem>>) {add = true}
        %dma_wait3A = arith.constant 0 : i32
        %dma_wait3A_37 = tpu.memref_slice %arg5[%add3A, %dma_wait3A] : memref<80x128xi32, #tpu.memory_space<vmem>> -> memref<1x128xi32, #tpu.memory_space<vmem>>
        %dma_wait3A_38 = tpu.memref_squeeze %dma_wait3A_37 : memref<1x128xi32, #tpu.memory_space<vmem>> -> memref<128xi32, #tpu.memory_space<vmem>>
        %dma_wait3A_39 = arith.constant 0 : i32
        %dma_wait3A_40 = arith.constant 0 : i32
        %dma_wait3A_41 = tpu.memref_slice %arg4[%dma_wait3A_39, %dma_wait3A_40] : memref<10240x128xf32, #tpu.memory_space<vmem_shared>> -> memref<10240x128xf32, #tpu.memory_space<vmem_shared>>
        tpu.wait_indirect_dma semaphore(%run_scoped3A : memref<!tpu.dma_semaphore, #tpu.memory_space<semaphore_mem>>) src(%arg6 : memref<128x128xf32, #tpu.memory_space<vmem>>) dst(%dma_wait3A_41 : memref<10240x128xf32, #tpu.memory_space<vmem_shared>>)
        tpu.yield
      }) : () -> ()
    }
    %scan3A_22 = arith.constant 40 : i32
    %barrier3A_23 = arith.constant 0 : index
    tpu.barrier barrier_id(%barrier3A_23)
    %scan3A_24 = arith.constant 0 : i32
    %scan3A_25 = arith.constant 0 : i32
    %scan3A_26 = arith.constant 10 : i32
    %scan3A_27 = arith.addi %scan3A_25, %scan3A_26 : i32
    %scan3A_28 = arith.constant 1 : i32
    scf.for %scan3A_30 = %scan3A_25 to %scan3A_27 step %scan3A_28  : i32 {
      %mul3A = arith.constant 640 : i32
      %mul3A_31 = arith.muli %arg1, %mul3A : i32
      %mul3A_32 = arith.constant 64 : i32
      %mul3A_33 = arith.muli %scan3A_30, %mul3A_32 : i32
      %add3A = arith.addi %mul3A_31, %mul3A_33 : i32
      "tpu.region"() ({
        %run_scoped3A = tpu.sem_alloc : memref<!tpu.dma_semaphore, #tpu.memory_space<semaphore_mem>>
        %dma_start3A = arith.constant 0 : i32
        %dma_start3A_45 = tpu.memref_slice %arg4[%add3A, %dma_start3A] : memref<10240x128xf32, #tpu.memory_space<vmem_shared>> -> memref<64x128xf32, #tpu.memory_space<vmem_shared>>
        %dma_start3A_46 = arith.constant 0 : i32
        %dma_start3A_47 = tpu.memref_slice %arg4[%add3A, %dma_start3A_46] : memref<10240x128xf32, #tpu.memory_space<vmem_shared>> -> memref<64x128xf32, #tpu.memory_space<vmem_shared>>
        tpu.enqueue_dma source(%dma_start3A_47 : memref<64x128xf32, #tpu.memory_space<vmem_shared>>) target(%arg7 : memref<64x128xf32, #tpu.memory_space<vmem>>) target_semaphore(%run_scoped3A : memref<!tpu.dma_semaphore, #tpu.memory_space<semaphore_mem>>)
        %dma_wait3A = arith.constant 0 : i32
        %dma_wait3A_48 = tpu.memref_slice %arg4[%add3A, %dma_wait3A] : memref<10240x128xf32, #tpu.memory_space<vmem_shared>> -> memref<64x128xf32, #tpu.memory_space<vmem_shared>>
        %dma_wait3A_49 = arith.constant 0 : i32
        %dma_wait3A_50 = tpu.memref_slice %arg4[%add3A, %dma_wait3A_49] : memref<10240x128xf32, #tpu.memory_space<vmem_shared>> -> memref<64x128xf32, #tpu.memory_space<vmem_shared>>
        tpu.wait_dma2 semaphore(%run_scoped3A : memref<!tpu.dma_semaphore, #tpu.memory_space<semaphore_mem>>) src(%dma_wait3A_50 : memref<64x128xf32, #tpu.memory_space<vmem_shared>>) dst(%arg7 : memref<64x128xf32, #tpu.memory_space<vmem>>)
        tpu.yield
      }) : () -> ()
      %scan3A_34 = arith.constant 0 : i32
      %scan3A_35 = arith.constant 0 : i32
      %scan3A_36 = arith.constant 64 : i32
      %scan3A_37 = arith.addi %scan3A_35, %scan3A_36 : i32
      %scan3A_38 = arith.constant 1 : i32
      scf.for %scan3A_45 = %scan3A_35 to %scan3A_37 step %scan3A_38  : i32 {
        %get3A = arith.index_cast %scan3A_45 : i32 to index
        %get3A_46 = arith.constant 0 : index
        %get3A_47 = tpu.vector_load %arg7[%get3A, %get3A_46] {strides = array<i32>} : memref<64x128xf32, #tpu.memory_space<vmem>>, vector<1x16xf32>,
        %get3A_48 = vector.shape_cast %get3A_47 : vector<1x16xf32> to vector<16xf32>
        %swap3A = arith.index_cast %scan3A_45 : i32 to index
        %swap3A_49 = arith.constant 0 : index
        %swap3A_50 = tpu.vector_load %arg8[%swap3A, %swap3A_49] {strides = array<i32>} : memref<64x16xf32, #tpu.memory_space<vmem>>, vector<1x16xf32>,
        %swap3A_51 = vector.shape_cast %swap3A_50 : vector<1x16xf32> to vector<16xf32>
        %swap3A_52 = vector.shape_cast %get3A_48 : vector<16xf32> to vector<1x16xf32>
        tpu.vector_store %arg8[%swap3A, %swap3A_49], %swap3A_52 {strides = array<i32>} : memref<64x16xf32, #tpu.memory_space<vmem>>, vector<1x16xf32>,
      }
      %scan3A_39 = arith.constant 64 : i32
      %mul3A_40 = arith.constant 640 : i32
      %mul3A_41 = arith.muli %arg1, %mul3A_40 : i32
      %mul3A_42 = arith.constant 64 : i32
      %mul3A_43 = arith.muli %scan3A_30, %mul3A_42 : i32
      %add3A_44 = arith.addi %mul3A_41, %mul3A_43 : i32
      "tpu.region"() ({
        %run_scoped3A = tpu.sem_alloc : memref<!tpu.dma_semaphore, #tpu.memory_space<semaphore_mem>>
        %dma_start3A = arith.constant 0 : i32
        %dma_start3A_45 = tpu.memref_slice %arg3[%arg0, %add3A_44, %dma_start3A] : memref<2x10240x16xf32, #tpu.memory_space<hbm>> -> memref<1x64x16xf32, #tpu.memory_space<hbm>>
        %dma_start3A_46 = tpu.memref_squeeze %dma_start3A_45 : memref<1x64x16xf32, #tpu.memory_space<hbm>> -> memref<64x16xf32, #tpu.memory_space<hbm>>
        %dma_start3A_47 = arith.constant 0 : i32
        %dma_start3A_48 = tpu.memref_slice %arg3[%arg0, %add3A_44, %dma_start3A_47] : memref<2x10240x16xf32, #tpu.memory_space<hbm>> -> memref<1x64x16xf32, #tpu.memory_space<hbm>>
        %dma_start3A_49 = tpu.memref_squeeze %dma_start3A_48 : memref<1x64x16xf32, #tpu.memory_space<hbm>> -> memref<64x16xf32, #tpu.memory_space<hbm>>
        tpu.enqueue_dma source(%arg8 : memref<64x16xf32, #tpu.memory_space<vmem>>) target(%dma_start3A_49 : memref<64x16xf32, #tpu.memory_space<hbm>>) target_semaphore(%run_scoped3A : memref<!tpu.dma_semaphore, #tpu.memory_space<semaphore_mem>>)
        %dma_wait3A = arith.constant 0 : i32
        %dma_wait3A_50 = tpu.memref_slice %arg3[%arg0, %add3A_44, %dma_wait3A] : memref<2x10240x16xf32, #tpu.memory_space<hbm>> -> memref<1x64x16xf32, #tpu.memory_space<hbm>>
        %dma_wait3A_51 = tpu.memref_squeeze %dma_wait3A_50 : memref<1x64x16xf32, #tpu.memory_space<hbm>> -> memref<64x16xf32, #tpu.memory_space<hbm>>
        %dma_wait3A_52 = arith.constant 0 : i32
        %dma_wait3A_53 = tpu.memref_slice %arg3[%arg0, %add3A_44, %dma_wait3A_52] : memref<2x10240x16xf32, #tpu.memory_space<hbm>> -> memref<1x64x16xf32, #tpu.memory_space<hbm>>
        %dma_wait3A_54 = tpu.memref_squeeze %dma_wait3A_53 : memref<1x64x16xf32, #tpu.memory_space<hbm>> -> memref<64x16xf32, #tpu.memory_space<hbm>>
        tpu.wait_dma2 semaphore(%run_scoped3A : memref<!tpu.dma_semaphore, #tpu.memory_space<semaphore_mem>>) src(%arg8 : memref<64x16xf32, #tpu.memory_space<vmem>>) dst(%dma_wait3A_54 : memref<64x16xf32, #tpu.memory_space<hbm>>)
        tpu.yield
      }) : () -> ()
    }
    %scan3A_29 = arith.constant 10 : i32
    return
  }
}

#map = affine_map<(d0, d1) -> (0, 0)>
#map1 = affine_map<(d0, d1) -> (0, 0, 0)>
module attributes {stable_mosaic.version = 14 : i64} {
  func.func @_scat_body(%arg0: i32, %arg1: i32, %arg2: memref<20480x128xf32, #tpu.memory_space<hbm>>, %arg3: memref<16x80x128xi32, #tpu.memory_space<hbm>>, %arg4: memref<16x80x128xi32, #tpu.memory_space<hbm>>, %arg5: memref<2x10240x128xf32, #tpu.memory_space<hbm>>, %arg6: memref<10240x128xf32, #tpu.memory_space<vmem_shared>>, %arg7: memref<80x128xi32, #tpu.memory_space<vmem>>, %arg8: memref<80x128xi32, #tpu.memory_space<vmem>>, %arg9: memref<128x128xf32, #tpu.memory_space<vmem>>, %arg10: memref<!tpu.dma_semaphore, #tpu.memory_space<semaphore_mem>>) attributes {dimension_semantics = [#tpu.dimension_semantics<core_parallel>, #tpu.dimension_semantics<subcore_parallel>], iteration_bounds = array<i64: 2, 16>, scalar_prefetch = 0 : i64, scratch_operands = 5 : i64, tpu.core_type = #tpu.core_type<sc_vector_subcore>, window_params = [{transform_indices = #map}, {transform_indices = #map1}, {transform_indices = #map1}, {transform_indices = #map1}]} {
    %mul3A = arith.constant 10240 : i32
    %mul3A_0 = arith.muli %arg0, %mul3A : i32
    %mul3A_1 = arith.constant 640 : i32
    %mul3A_2 = arith.muli %arg1, %mul3A_1 : i32
    %add3A = arith.addi %mul3A_0, %mul3A_2 : i32
    %mul3A_3 = arith.constant 640 : i32
    %mul3A_4 = arith.muli %arg1, %mul3A_3 : i32
    "tpu.region"() ({
      %run_scoped3A = tpu.sem_alloc : memref<!tpu.dma_semaphore, #tpu.memory_space<semaphore_mem>>
      %dma_start3A = arith.constant 0 : i32
      %dma_start3A_21 = tpu.memref_slice %arg6[%mul3A_4, %dma_start3A] : memref<10240x128xf32, #tpu.memory_space<vmem_shared>> -> memref<640x128xf32, #tpu.memory_space<vmem_shared>>
      %dma_start3A_22 = arith.constant 0 : i32
      %dma_start3A_23 = tpu.memref_slice %arg2[%add3A, %dma_start3A_22] : memref<20480x128xf32, #tpu.memory_space<hbm>> -> memref<640x128xf32, #tpu.memory_space<hbm>>
      tpu.enqueue_dma source(%dma_start3A_23 : memref<640x128xf32, #tpu.memory_space<hbm>>) target(%dma_start3A_21 : memref<640x128xf32, #tpu.memory_space<vmem_shared>>) target_semaphore(%run_scoped3A : memref<!tpu.dma_semaphore, #tpu.memory_space<semaphore_mem>>)
      %dma_wait3A = arith.constant 0 : i32
      %dma_wait3A_24 = tpu.memref_slice %arg6[%mul3A_4, %dma_wait3A] : memref<10240x128xf32, #tpu.memory_space<vmem_shared>> -> memref<640x128xf32, #tpu.memory_space<vmem_shared>>
      %dma_wait3A_25 = arith.constant 0 : i32
      %dma_wait3A_26 = tpu.memref_slice %arg2[%add3A, %dma_wait3A_25] : memref<20480x128xf32, #tpu.memory_space<hbm>> -> memref<640x128xf32, #tpu.memory_space<hbm>>
      tpu.wait_dma2 semaphore(%run_scoped3A : memref<!tpu.dma_semaphore, #tpu.memory_space<semaphore_mem>>) src(%dma_wait3A_26 : memref<640x128xf32, #tpu.memory_space<hbm>>) dst(%dma_wait3A_24 : memref<640x128xf32, #tpu.memory_space<vmem_shared>>)
      tpu.yield
    }) : () -> ()
    "tpu.region"() ({
      %run_scoped3A = tpu.sem_alloc : memref<!tpu.dma_semaphore, #tpu.memory_space<semaphore_mem>>
      %dma_start3A = arith.constant 0 : i32
      %dma_start3A_21 = arith.constant 0 : i32
      %dma_start3A_22 = tpu.memref_slice %arg3[%arg1, %dma_start3A, %dma_start3A_21] : memref<16x80x128xi32, #tpu.memory_space<hbm>> -> memref<1x80x128xi32, #tpu.memory_space<hbm>>
      %dma_start3A_23 = tpu.memref_squeeze %dma_start3A_22 : memref<1x80x128xi32, #tpu.memory_space<hbm>> -> memref<80x128xi32, #tpu.memory_space<hbm>>
      %dma_start3A_24 = arith.constant 0 : i32
      %dma_start3A_25 = arith.constant 0 : i32
      %dma_start3A_26 = tpu.memref_slice %arg3[%arg1, %dma_start3A_24, %dma_start3A_25] : memref<16x80x128xi32, #tpu.memory_space<hbm>> -> memref<1x80x128xi32, #tpu.memory_space<hbm>>
      %dma_start3A_27 = tpu.memref_squeeze %dma_start3A_26 : memref<1x80x128xi32, #tpu.memory_space<hbm>> -> memref<80x128xi32, #tpu.memory_space<hbm>>
      tpu.enqueue_dma source(%dma_start3A_27 : memref<80x128xi32, #tpu.memory_space<hbm>>) target(%arg7 : memref<80x128xi32, #tpu.memory_space<vmem>>) target_semaphore(%run_scoped3A : memref<!tpu.dma_semaphore, #tpu.memory_space<semaphore_mem>>)
      %dma_wait3A = arith.constant 0 : i32
      %dma_wait3A_28 = arith.constant 0 : i32
      %dma_wait3A_29 = tpu.memref_slice %arg3[%arg1, %dma_wait3A, %dma_wait3A_28] : memref<16x80x128xi32, #tpu.memory_space<hbm>> -> memref<1x80x128xi32, #tpu.memory_space<hbm>>
      %dma_wait3A_30 = tpu.memref_squeeze %dma_wait3A_29 : memref<1x80x128xi32, #tpu.memory_space<hbm>> -> memref<80x128xi32, #tpu.memory_space<hbm>>
      %dma_wait3A_31 = arith.constant 0 : i32
      %dma_wait3A_32 = arith.constant 0 : i32
      %dma_wait3A_33 = tpu.memref_slice %arg3[%arg1, %dma_wait3A_31, %dma_wait3A_32] : memref<16x80x128xi32, #tpu.memory_space<hbm>> -> memref<1x80x128xi32, #tpu.memory_space<hbm>>
      %dma_wait3A_34 = tpu.memref_squeeze %dma_wait3A_33 : memref<1x80x128xi32, #tpu.memory_space<hbm>> -> memref<80x128xi32, #tpu.memory_space<hbm>>
      tpu.wait_dma2 semaphore(%run_scoped3A : memref<!tpu.dma_semaphore, #tpu.memory_space<semaphore_mem>>) src(%dma_wait3A_34 : memref<80x128xi32, #tpu.memory_space<hbm>>) dst(%arg7 : memref<80x128xi32, #tpu.memory_space<vmem>>)
      tpu.yield
    }) : () -> ()
    "tpu.region"() ({
      %run_scoped3A = tpu.sem_alloc : memref<!tpu.dma_semaphore, #tpu.memory_space<semaphore_mem>>
      %dma_start3A = arith.constant 0 : i32
      %dma_start3A_21 = arith.constant 0 : i32
      %dma_start3A_22 = tpu.memref_slice %arg4[%arg1, %dma_start3A, %dma_start3A_21] : memref<16x80x128xi32, #tpu.memory_space<hbm>> -> memref<1x80x128xi32, #tpu.memory_space<hbm>>
      %dma_start3A_23 = tpu.memref_squeeze %dma_start3A_22 : memref<1x80x128xi32, #tpu.memory_space<hbm>> -> memref<80x128xi32, #tpu.memory_space<hbm>>
      %dma_start3A_24 = arith.constant 0 : i32
      %dma_start3A_25 = arith.constant 0 : i32
      %dma_start3A_26 = tpu.memref_slice %arg4[%arg1, %dma_start3A_24, %dma_start3A_25] : memref<16x80x128xi32, #tpu.memory_space<hbm>> -> memref<1x80x128xi32, #tpu.memory_space<hbm>>
      %dma_start3A_27 = tpu.memref_squeeze %dma_start3A_26 : memref<1x80x128xi32, #tpu.memory_space<hbm>> -> memref<80x128xi32, #tpu.memory_space<hbm>>
      tpu.enqueue_dma source(%dma_start3A_27 : memref<80x128xi32, #tpu.memory_space<hbm>>) target(%arg8 : memref<80x128xi32, #tpu.memory_space<vmem>>) target_semaphore(%run_scoped3A : memref<!tpu.dma_semaphore, #tpu.memory_space<semaphore_mem>>)
      %dma_wait3A = arith.constant 0 : i32
      %dma_wait3A_28 = arith.constant 0 : i32
      %dma_wait3A_29 = tpu.memref_slice %arg4[%arg1, %dma_wait3A, %dma_wait3A_28] : memref<16x80x128xi32, #tpu.memory_space<hbm>> -> memref<1x80x128xi32, #tpu.memory_space<hbm>>
      %dma_wait3A_30 = tpu.memref_squeeze %dma_wait3A_29 : memref<1x80x128xi32, #tpu.memory_space<hbm>> -> memref<80x128xi32, #tpu.memory_space<hbm>>
      %dma_wait3A_31 = arith.constant 0 : i32
      %dma_wait3A_32 = arith.constant 0 : i32
      %dma_wait3A_33 = tpu.memref_slice %arg4[%arg1, %dma_wait3A_31, %dma_wait3A_32] : memref<16x80x128xi32, #tpu.memory_space<hbm>> -> memref<1x80x128xi32, #tpu.memory_space<hbm>>
      %dma_wait3A_34 = tpu.memref_squeeze %dma_wait3A_33 : memref<1x80x128xi32, #tpu.memory_space<hbm>> -> memref<80x128xi32, #tpu.memory_space<hbm>>
      tpu.wait_dma2 semaphore(%run_scoped3A : memref<!tpu.dma_semaphore, #tpu.memory_space<semaphore_mem>>) src(%dma_wait3A_34 : memref<80x128xi32, #tpu.memory_space<hbm>>) dst(%arg8 : memref<80x128xi32, #tpu.memory_space<vmem>>)
      tpu.yield
    }) : () -> ()
    %scan3A = arith.constant 0 : i32
    %scan3A_5 = arith.constant 0 : i32
    %scan3A_6 = arith.constant 640 : i32
    %scan3A_7 = arith.addi %scan3A_5, %scan3A_6 : i32
    %scan3A_8 = arith.constant 1 : i32
    scf.for %scan3A_21 = %scan3A_5 to %scan3A_7 step %scan3A_8  : i32 {
      %jit3A = arith.constant 8 : i32
      %div3A = arith.divsi %scan3A_21, %jit3A : i32
      %sign3A = arith.constant 0 : i32
      %sign3A_22 = arith.cmpi sgt, %scan3A_21, %sign3A : i32
      %sign3A_23 = arith.extui %sign3A_22 : i1 to i32
      %sign3A_24 = arith.constant 0 : i32
      %sign3A_25 = arith.cmpi slt, %scan3A_21, %sign3A_24 : i32
      %sign3A_26 = arith.extui %sign3A_25 : i1 to i32
      %sign3A_27 = arith.subi %sign3A_23, %sign3A_26 : i32
      %sign3A_28 = arith.constant 0 : i32
      %sign3A_29 = arith.cmpi sgt, %jit3A, %sign3A_28 : i32
      %sign3A_30 = arith.extui %sign3A_29 : i1 to i32
      %sign3A_31 = arith.constant 0 : i32
      %sign3A_32 = arith.cmpi slt, %jit3A, %sign3A_31 : i32
      %sign3A_33 = arith.extui %sign3A_32 : i1 to i32
      %sign3A_34 = arith.subi %sign3A_30, %sign3A_33 : i32
      %ne3A = arith.cmpi ne, %sign3A_27, %sign3A_34 : i32
      %rem3A = arith.remsi %scan3A_21, %jit3A : i32
      %ne3A_35 = arith.constant 0 : i32
      %ne3A_36 = arith.cmpi ne, %rem3A, %ne3A_35 : i32
      %and3A = arith.andi %ne3A, %ne3A_36 : i1
      %sub3A = arith.constant 1 : i32
      %sub3A_37 = arith.subi %div3A, %sub3A : i32
      %select_n3A = arith.select %and3A, %sub3A_37, %div3A : i32
      %jit3A_38 = arith.constant 8 : i32
      %eq3A = arith.constant 0 : i32
      %eq3A_39 = arith.cmpi eq, %jit3A_38, %eq3A : i32
      %jit3A_40 = arith.constant 1 : i32
      %select_n3A_41 = arith.select %eq3A_39, %jit3A_40, %jit3A_38 : i32
      %rem3A_42 = arith.remsi %scan3A_21, %select_n3A_41 : i32
      %ne3A_43 = arith.constant 0 : i32
      %ne3A_44 = arith.cmpi ne, %rem3A_42, %ne3A_43 : i32
      %lt3A = arith.constant 0 : i32
      %lt3A_45 = arith.cmpi slt, %rem3A_42, %lt3A : i32
      %lt3A_46 = arith.constant 0 : i32
      %lt3A_47 = arith.cmpi slt, %select_n3A_41, %lt3A_46 : i32
      %ne3A_48 = arith.xori %lt3A_45, %lt3A_47 : i1
      %and3A_49 = arith.andi %ne3A_48, %ne3A_44 : i1
      %add3A_50 = arith.addi %rem3A_42, %select_n3A_41 : i32
      %select_n3A_51 = arith.select %and3A_49, %add3A_50, %rem3A_42 : i32
      %mul3A_52 = arith.constant 16 : i32
      %mul3A_53 = arith.muli %select_n3A_51, %mul3A_52 : i32
      %get3A = arith.index_cast %select_n3A : i32 to index
      %get3A_54 = arith.index_cast %mul3A_53 : i32 to index
      %get3A_55 = tpu.vector_load %arg7[%get3A, %get3A_54] {strides = array<i32>} : memref<80x128xi32, #tpu.memory_space<vmem>>, vector<1x16xi32>,
      %get3A_56 = vector.shape_cast %get3A_55 : vector<1x16xi32> to vector<16xi32>
      %add3A_57 = vector.broadcast %mul3A_0 : i32 to vector<16xi32>
      %add3A_58 = arith.addi %get3A_56, %add3A_57 : vector<16xi32>
      %swap3A = arith.index_cast %select_n3A : i32 to index
      %swap3A_59 = arith.index_cast %mul3A_53 : i32 to index
      %swap3A_60 = tpu.vector_load %arg7[%swap3A, %swap3A_59] {strides = array<i32>} : memref<80x128xi32, #tpu.memory_space<vmem>>, vector<1x16xi32>,
      %swap3A_61 = vector.shape_cast %swap3A_60 : vector<1x16xi32> to vector<16xi32>
      %swap3A_62 = vector.shape_cast %add3A_58 : vector<16xi32> to vector<1x16xi32>
      tpu.vector_store %arg7[%swap3A, %swap3A_59], %swap3A_62 {strides = array<i32>} : memref<80x128xi32, #tpu.memory_space<vmem>>, vector<1x16xi32>,
    }
    %scan3A_9 = arith.constant 640 : i32
    %barrier3A = arith.constant 0 : index
    tpu.barrier barrier_id(%barrier3A)
    %scan3A_10 = arith.constant 0 : i32
    %scan3A_11 = arith.constant 0 : i32
    %scan3A_12 = arith.constant 80 : i32
    %scan3A_13 = arith.addi %scan3A_11, %scan3A_12 : i32
    %scan3A_14 = arith.constant 1 : i32
    scf.for %scan3A_21 = %scan3A_11 to %scan3A_13 step %scan3A_14  : i32 {
      "tpu.region"() ({
        %run_scoped3A = tpu.sem_alloc : memref<!tpu.dma_semaphore, #tpu.memory_space<semaphore_mem>>
        %dma_start3A = arith.constant 0 : i32
        %dma_start3A_22 = tpu.memref_slice %arg7[%scan3A_21, %dma_start3A] : memref<80x128xi32, #tpu.memory_space<vmem>> -> memref<1x128xi32, #tpu.memory_space<vmem>>
        %dma_start3A_23 = tpu.memref_squeeze %dma_start3A_22 : memref<1x128xi32, #tpu.memory_space<vmem>> -> memref<128xi32, #tpu.memory_space<vmem>>
        %dma_start3A_24 = arith.constant 0 : i32
        %dma_start3A_25 = arith.constant 0 : i32
        %dma_start3A_26 = tpu.memref_slice %arg2[%dma_start3A_24, %dma_start3A_25] : memref<20480x128xf32, #tpu.memory_space<hbm>> -> memref<20480x128xf32, #tpu.memory_space<hbm>>
        tpu.enqueue_indirect_dma source(%dma_start3A_26 : memref<20480x128xf32, #tpu.memory_space<hbm>>) target(%arg9 : memref<128x128xf32, #tpu.memory_space<vmem>>) offsets(%dma_start3A_23 : memref<128xi32, #tpu.memory_space<vmem>>) semaphore(%run_scoped3A : memref<!tpu.dma_semaphore, #tpu.memory_space<semaphore_mem>>)
        %dma_wait3A = arith.constant 0 : i32
        %dma_wait3A_27 = tpu.memref_slice %arg7[%scan3A_21, %dma_wait3A] : memref<80x128xi32, #tpu.memory_space<vmem>> -> memref<1x128xi32, #tpu.memory_space<vmem>>
        %dma_wait3A_28 = tpu.memref_squeeze %dma_wait3A_27 : memref<1x128xi32, #tpu.memory_space<vmem>> -> memref<128xi32, #tpu.memory_space<vmem>>
        %dma_wait3A_29 = arith.constant 0 : i32
        %dma_wait3A_30 = arith.constant 0 : i32
        %dma_wait3A_31 = tpu.memref_slice %arg2[%dma_wait3A_29, %dma_wait3A_30] : memref<20480x128xf32, #tpu.memory_space<hbm>> -> memref<20480x128xf32, #tpu.memory_space<hbm>>
        tpu.wait_indirect_dma semaphore(%run_scoped3A : memref<!tpu.dma_semaphore, #tpu.memory_space<semaphore_mem>>) src(%dma_wait3A_31 : memref<20480x128xf32, #tpu.memory_space<hbm>>) dst(%arg9 : memref<128x128xf32, #tpu.memory_space<vmem>>)
        tpu.yield
      }) : () -> ()
      "tpu.region"() ({
        %run_scoped3A = tpu.sem_alloc : memref<!tpu.dma_semaphore, #tpu.memory_space<semaphore_mem>>
        %dma_start3A = arith.constant 0 : i32
        %dma_start3A_22 = tpu.memref_slice %arg8[%scan3A_21, %dma_start3A] : memref<80x128xi32, #tpu.memory_space<vmem>> -> memref<1x128xi32, #tpu.memory_space<vmem>>
        %dma_start3A_23 = tpu.memref_squeeze %dma_start3A_22 : memref<1x128xi32, #tpu.memory_space<vmem>> -> memref<128xi32, #tpu.memory_space<vmem>>
        %dma_start3A_24 = arith.constant 0 : i32
        %dma_start3A_25 = arith.constant 0 : i32
        %dma_start3A_26 = tpu.memref_slice %arg6[%dma_start3A_24, %dma_start3A_25] : memref<10240x128xf32, #tpu.memory_space<vmem_shared>> -> memref<10240x128xf32, #tpu.memory_space<vmem_shared>>
        tpu.enqueue_indirect_dma source(%arg9 : memref<128x128xf32, #tpu.memory_space<vmem>>) target(%dma_start3A_26 : memref<10240x128xf32, #tpu.memory_space<vmem_shared>>) offsets(%dma_start3A_23 : memref<128xi32, #tpu.memory_space<vmem>>) semaphore(%run_scoped3A : memref<!tpu.dma_semaphore, #tpu.memory_space<semaphore_mem>>) {add = true}
        %dma_wait3A = arith.constant 0 : i32
        %dma_wait3A_27 = tpu.memref_slice %arg8[%scan3A_21, %dma_wait3A] : memref<80x128xi32, #tpu.memory_space<vmem>> -> memref<1x128xi32, #tpu.memory_space<vmem>>
        %dma_wait3A_28 = tpu.memref_squeeze %dma_wait3A_27 : memref<1x128xi32, #tpu.memory_space<vmem>> -> memref<128xi32, #tpu.memory_space<vmem>>
        %dma_wait3A_29 = arith.constant 0 : i32
        %dma_wait3A_30 = arith.constant 0 : i32
        %dma_wait3A_31 = tpu.memref_slice %arg6[%dma_wait3A_29, %dma_wait3A_30] : memref<10240x128xf32, #tpu.memory_space<vmem_shared>> -> memref<10240x128xf32, #tpu.memory_space<vmem_shared>>
        tpu.wait_indirect_dma semaphore(%run_scoped3A : memref<!tpu.dma_semaphore, #tpu.memory_space<semaphore_mem>>) src(%arg9 : memref<128x128xf32, #tpu.memory_space<vmem>>) dst(%dma_wait3A_31 : memref<10240x128xf32, #tpu.memory_space<vmem_shared>>)
        tpu.yield
      }) : () -> ()
    }
    %scan3A_15 = arith.constant 80 : i32
    %barrier3A_16 = arith.constant 0 : index
    tpu.barrier barrier_id(%barrier3A_16)
    %mul3A_17 = arith.constant 640 : i32
    %mul3A_18 = arith.muli %arg1, %mul3A_17 : i32
    %mul3A_19 = arith.constant 640 : i32
    %mul3A_20 = arith.muli %arg1, %mul3A_19 : i32
    "tpu.region"() ({
      %run_scoped3A = tpu.sem_alloc : memref<!tpu.dma_semaphore, #tpu.memory_space<semaphore_mem>>
      %dma_start3A = arith.constant 0 : i32
      %dma_start3A_21 = tpu.memref_slice %arg5[%arg0, %mul3A_20, %dma_start3A] : memref<2x10240x128xf32, #tpu.memory_space<hbm>> -> memref<1x640x128xf32, #tpu.memory_space<hbm>>
      %dma_start3A_22 = tpu.memref_squeeze %dma_start3A_21 : memref<1x640x128xf32, #tpu.memory_space<hbm>> -> memref<640x128xf32, #tpu.memory_space<hbm>>
      %dma_start3A_23 = arith.constant 0 : i32
      %dma_start3A_24 = tpu.memref_slice %arg6[%mul3A_18, %dma_start3A_23] : memref<10240x128xf32, #tpu.memory_space<vmem_shared>> -> memref<640x128xf32, #tpu.memory_space<vmem_shared>>
      tpu.enqueue_dma source(%dma_start3A_24 : memref<640x128xf32, #tpu.memory_space<vmem_shared>>) target(%dma_start3A_22 : memref<640x128xf32, #tpu.memory_space<hbm>>) target_semaphore(%run_scoped3A : memref<!tpu.dma_semaphore, #tpu.memory_space<semaphore_mem>>)
      %dma_wait3A = arith.constant 0 : i32
      %dma_wait3A_25 = tpu.memref_slice %arg5[%arg0, %mul3A_20, %dma_wait3A] : memref<2x10240x128xf32, #tpu.memory_space<hbm>> -> memref<1x640x128xf32, #tpu.memory_space<hbm>>
      %dma_wait3A_26 = tpu.memref_squeeze %dma_wait3A_25 : memref<1x640x128xf32, #tpu.memory_space<hbm>> -> memref<640x128xf32, #tpu.memory_space<hbm>>
      %dma_wait3A_27 = arith.constant 0 : i32
      %dma_wait3A_28 = tpu.memref_slice %arg6[%mul3A_18, %dma_wait3A_27] : memref<10240x128xf32, #tpu.memory_space<vmem_shared>> -> memref<640x128xf32, #tpu.memory_space<vmem_shared>>
      tpu.wait_dma2 semaphore(%run_scoped3A : memref<!tpu.dma_semaphore, #tpu.memory_space<semaphore_mem>>) src(%dma_wait3A_28 : memref<640x128xf32, #tpu.memory_space<vmem_shared>>) dst(%dma_wait3A_26 : memref<640x128xf32, #tpu.memory_space<hbm>>)
      tpu.yield
    }) : () -> ()
    return
  }
}

#map = affine_map<(d0, d1) -> (0, 0)>
#map1 = affine_map<(d0, d1) -> (0, 0, 0)>
module attributes {stable_mosaic.version = 14 : i64} {
  func.func @_scat_body(%arg0: i32, %arg1: i32, %arg2: memref<20480x128xf32, #tpu.memory_space<hbm>>, %arg3: memref<16x80x128xi32, #tpu.memory_space<hbm>>, %arg4: memref<16x80x128xi32, #tpu.memory_space<hbm>>, %arg5: memref<2x10240x128xf32, #tpu.memory_space<hbm>>, %arg6: memref<10240x128xf32, #tpu.memory_space<vmem_shared>>, %arg7: memref<80x128xi32, #tpu.memory_space<vmem>>, %arg8: memref<80x128xi32, #tpu.memory_space<vmem>>, %arg9: memref<128x128xf32, #tpu.memory_space<vmem>>, %arg10: memref<!tpu.dma_semaphore, #tpu.memory_space<semaphore_mem>>) attributes {dimension_semantics = [#tpu.dimension_semantics<core_parallel>, #tpu.dimension_semantics<subcore_parallel>], iteration_bounds = array<i64: 2, 16>, scalar_prefetch = 0 : i64, scratch_operands = 5 : i64, tpu.core_type = #tpu.core_type<sc_vector_subcore>, window_params = [{transform_indices = #map}, {transform_indices = #map1}, {transform_indices = #map1}, {transform_indices = #map1}]} {
    %mul3A = arith.constant 10240 : i32
    %mul3A_0 = arith.muli %arg0, %mul3A : i32
    %mul3A_1 = arith.constant 640 : i32
    %mul3A_2 = arith.muli %arg1, %mul3A_1 : i32
    %add3A = arith.addi %mul3A_0, %mul3A_2 : i32
    %mul3A_3 = arith.constant 640 : i32
    %mul3A_4 = arith.muli %arg1, %mul3A_3 : i32
    "tpu.region"() ({
      %run_scoped3A = tpu.sem_alloc : memref<!tpu.dma_semaphore, #tpu.memory_space<semaphore_mem>>
      %dma_start3A = arith.constant 0 : i32
      %dma_start3A_21 = tpu.memref_slice %arg6[%mul3A_4, %dma_start3A] : memref<10240x128xf32, #tpu.memory_space<vmem_shared>> -> memref<640x128xf32, #tpu.memory_space<vmem_shared>>
      %dma_start3A_22 = arith.constant 0 : i32
      %dma_start3A_23 = tpu.memref_slice %arg2[%add3A, %dma_start3A_22] : memref<20480x128xf32, #tpu.memory_space<hbm>> -> memref<640x128xf32, #tpu.memory_space<hbm>>
      tpu.enqueue_dma source(%dma_start3A_23 : memref<640x128xf32, #tpu.memory_space<hbm>>) target(%dma_start3A_21 : memref<640x128xf32, #tpu.memory_space<vmem_shared>>) target_semaphore(%run_scoped3A : memref<!tpu.dma_semaphore, #tpu.memory_space<semaphore_mem>>)
      %dma_wait3A = arith.constant 0 : i32
      %dma_wait3A_24 = tpu.memref_slice %arg6[%mul3A_4, %dma_wait3A] : memref<10240x128xf32, #tpu.memory_space<vmem_shared>> -> memref<640x128xf32, #tpu.memory_space<vmem_shared>>
      %dma_wait3A_25 = arith.constant 0 : i32
      %dma_wait3A_26 = tpu.memref_slice %arg2[%add3A, %dma_wait3A_25] : memref<20480x128xf32, #tpu.memory_space<hbm>> -> memref<640x128xf32, #tpu.memory_space<hbm>>
      tpu.wait_dma2 semaphore(%run_scoped3A : memref<!tpu.dma_semaphore, #tpu.memory_space<semaphore_mem>>) src(%dma_wait3A_26 : memref<640x128xf32, #tpu.memory_space<hbm>>) dst(%dma_wait3A_24 : memref<640x128xf32, #tpu.memory_space<vmem_shared>>)
      tpu.yield
    }) : () -> ()
    "tpu.region"() ({
      %run_scoped3A = tpu.sem_alloc : memref<!tpu.dma_semaphore, #tpu.memory_space<semaphore_mem>>
      %dma_start3A = arith.constant 0 : i32
      %dma_start3A_21 = arith.constant 0 : i32
      %dma_start3A_22 = tpu.memref_slice %arg3[%arg1, %dma_start3A, %dma_start3A_21] : memref<16x80x128xi32, #tpu.memory_space<hbm>> -> memref<1x80x128xi32, #tpu.memory_space<hbm>>
      %dma_start3A_23 = tpu.memref_squeeze %dma_start3A_22 : memref<1x80x128xi32, #tpu.memory_space<hbm>> -> memref<80x128xi32, #tpu.memory_space<hbm>>
      %dma_start3A_24 = arith.constant 0 : i32
      %dma_start3A_25 = arith.constant 0 : i32
      %dma_start3A_26 = tpu.memref_slice %arg3[%arg1, %dma_start3A_24, %dma_start3A_25] : memref<16x80x128xi32, #tpu.memory_space<hbm>> -> memref<1x80x128xi32, #tpu.memory_space<hbm>>
      %dma_start3A_27 = tpu.memref_squeeze %dma_start3A_26 : memref<1x80x128xi32, #tpu.memory_space<hbm>> -> memref<80x128xi32, #tpu.memory_space<hbm>>
      tpu.enqueue_dma source(%dma_start3A_27 : memref<80x128xi32, #tpu.memory_space<hbm>>) target(%arg7 : memref<80x128xi32, #tpu.memory_space<vmem>>) target_semaphore(%run_scoped3A : memref<!tpu.dma_semaphore, #tpu.memory_space<semaphore_mem>>)
      %dma_wait3A = arith.constant 0 : i32
      %dma_wait3A_28 = arith.constant 0 : i32
      %dma_wait3A_29 = tpu.memref_slice %arg3[%arg1, %dma_wait3A, %dma_wait3A_28] : memref<16x80x128xi32, #tpu.memory_space<hbm>> -> memref<1x80x128xi32, #tpu.memory_space<hbm>>
      %dma_wait3A_30 = tpu.memref_squeeze %dma_wait3A_29 : memref<1x80x128xi32, #tpu.memory_space<hbm>> -> memref<80x128xi32, #tpu.memory_space<hbm>>
      %dma_wait3A_31 = arith.constant 0 : i32
      %dma_wait3A_32 = arith.constant 0 : i32
      %dma_wait3A_33 = tpu.memref_slice %arg3[%arg1, %dma_wait3A_31, %dma_wait3A_32] : memref<16x80x128xi32, #tpu.memory_space<hbm>> -> memref<1x80x128xi32, #tpu.memory_space<hbm>>
      %dma_wait3A_34 = tpu.memref_squeeze %dma_wait3A_33 : memref<1x80x128xi32, #tpu.memory_space<hbm>> -> memref<80x128xi32, #tpu.memory_space<hbm>>
      tpu.wait_dma2 semaphore(%run_scoped3A : memref<!tpu.dma_semaphore, #tpu.memory_space<semaphore_mem>>) src(%dma_wait3A_34 : memref<80x128xi32, #tpu.memory_space<hbm>>) dst(%arg7 : memref<80x128xi32, #tpu.memory_space<vmem>>)
      tpu.yield
    }) : () -> ()
    "tpu.region"() ({
      %run_scoped3A = tpu.sem_alloc : memref<!tpu.dma_semaphore, #tpu.memory_space<semaphore_mem>>
      %dma_start3A = arith.constant 0 : i32
      %dma_start3A_21 = arith.constant 0 : i32
      %dma_start3A_22 = tpu.memref_slice %arg4[%arg1, %dma_start3A, %dma_start3A_21] : memref<16x80x128xi32, #tpu.memory_space<hbm>> -> memref<1x80x128xi32, #tpu.memory_space<hbm>>
      %dma_start3A_23 = tpu.memref_squeeze %dma_start3A_22 : memref<1x80x128xi32, #tpu.memory_space<hbm>> -> memref<80x128xi32, #tpu.memory_space<hbm>>
      %dma_start3A_24 = arith.constant 0 : i32
      %dma_start3A_25 = arith.constant 0 : i32
      %dma_start3A_26 = tpu.memref_slice %arg4[%arg1, %dma_start3A_24, %dma_start3A_25] : memref<16x80x128xi32, #tpu.memory_space<hbm>> -> memref<1x80x128xi32, #tpu.memory_space<hbm>>
      %dma_start3A_27 = tpu.memref_squeeze %dma_start3A_26 : memref<1x80x128xi32, #tpu.memory_space<hbm>> -> memref<80x128xi32, #tpu.memory_space<hbm>>
      tpu.enqueue_dma source(%dma_start3A_27 : memref<80x128xi32, #tpu.memory_space<hbm>>) target(%arg8 : memref<80x128xi32, #tpu.memory_space<vmem>>) target_semaphore(%run_scoped3A : memref<!tpu.dma_semaphore, #tpu.memory_space<semaphore_mem>>)
      %dma_wait3A = arith.constant 0 : i32
      %dma_wait3A_28 = arith.constant 0 : i32
      %dma_wait3A_29 = tpu.memref_slice %arg4[%arg1, %dma_wait3A, %dma_wait3A_28] : memref<16x80x128xi32, #tpu.memory_space<hbm>> -> memref<1x80x128xi32, #tpu.memory_space<hbm>>
      %dma_wait3A_30 = tpu.memref_squeeze %dma_wait3A_29 : memref<1x80x128xi32, #tpu.memory_space<hbm>> -> memref<80x128xi32, #tpu.memory_space<hbm>>
      %dma_wait3A_31 = arith.constant 0 : i32
      %dma_wait3A_32 = arith.constant 0 : i32
      %dma_wait3A_33 = tpu.memref_slice %arg4[%arg1, %dma_wait3A_31, %dma_wait3A_32] : memref<16x80x128xi32, #tpu.memory_space<hbm>> -> memref<1x80x128xi32, #tpu.memory_space<hbm>>
      %dma_wait3A_34 = tpu.memref_squeeze %dma_wait3A_33 : memref<1x80x128xi32, #tpu.memory_space<hbm>> -> memref<80x128xi32, #tpu.memory_space<hbm>>
      tpu.wait_dma2 semaphore(%run_scoped3A : memref<!tpu.dma_semaphore, #tpu.memory_space<semaphore_mem>>) src(%dma_wait3A_34 : memref<80x128xi32, #tpu.memory_space<hbm>>) dst(%arg8 : memref<80x128xi32, #tpu.memory_space<vmem>>)
      tpu.yield
    }) : () -> ()
    %scan3A = arith.constant 0 : i32
    %scan3A_5 = arith.constant 0 : i32
    %scan3A_6 = arith.constant 640 : i32
    %scan3A_7 = arith.addi %scan3A_5, %scan3A_6 : i32
    %scan3A_8 = arith.constant 1 : i32
    scf.for %scan3A_21 = %scan3A_5 to %scan3A_7 step %scan3A_8  : i32 {
      %jit3A = arith.constant 8 : i32
      %div3A = arith.divsi %scan3A_21, %jit3A : i32
      %sign3A = arith.constant 0 : i32
      %sign3A_22 = arith.cmpi sgt, %scan3A_21, %sign3A : i32
      %sign3A_23 = arith.extui %sign3A_22 : i1 to i32
      %sign3A_24 = arith.constant 0 : i32
      %sign3A_25 = arith.cmpi slt, %scan3A_21, %sign3A_24 : i32
      %sign3A_26 = arith.extui %sign3A_25 : i1 to i32
      %sign3A_27 = arith.subi %sign3A_23, %sign3A_26 : i32
      %sign3A_28 = arith.constant 0 : i32
      %sign3A_29 = arith.cmpi sgt, %jit3A, %sign3A_28 : i32
      %sign3A_30 = arith.extui %sign3A_29 : i1 to i32
      %sign3A_31 = arith.constant 0 : i32
      %sign3A_32 = arith.cmpi slt, %jit3A, %sign3A_31 : i32
      %sign3A_33 = arith.extui %sign3A_32 : i1 to i32
      %sign3A_34 = arith.subi %sign3A_30, %sign3A_33 : i32
      %ne3A = arith.cmpi ne, %sign3A_27, %sign3A_34 : i32
      %rem3A = arith.remsi %scan3A_21, %jit3A : i32
      %ne3A_35 = arith.constant 0 : i32
      %ne3A_36 = arith.cmpi ne, %rem3A, %ne3A_35 : i32
      %and3A = arith.andi %ne3A, %ne3A_36 : i1
      %sub3A = arith.constant 1 : i32
      %sub3A_37 = arith.subi %div3A, %sub3A : i32
      %select_n3A = arith.select %and3A, %sub3A_37, %div3A : i32
      %jit3A_38 = arith.constant 8 : i32
      %eq3A = arith.constant 0 : i32
      %eq3A_39 = arith.cmpi eq, %jit3A_38, %eq3A : i32
      %jit3A_40 = arith.constant 1 : i32
      %select_n3A_41 = arith.select %eq3A_39, %jit3A_40, %jit3A_38 : i32
      %rem3A_42 = arith.remsi %scan3A_21, %select_n3A_41 : i32
      %ne3A_43 = arith.constant 0 : i32
      %ne3A_44 = arith.cmpi ne, %rem3A_42, %ne3A_43 : i32
      %lt3A = arith.constant 0 : i32
      %lt3A_45 = arith.cmpi slt, %rem3A_42, %lt3A : i32
      %lt3A_46 = arith.constant 0 : i32
      %lt3A_47 = arith.cmpi slt, %select_n3A_41, %lt3A_46 : i32
      %ne3A_48 = arith.xori %lt3A_45, %lt3A_47 : i1
      %and3A_49 = arith.andi %ne3A_48, %ne3A_44 : i1
      %add3A_50 = arith.addi %rem3A_42, %select_n3A_41 : i32
      %select_n3A_51 = arith.select %and3A_49, %add3A_50, %rem3A_42 : i32
      %mul3A_52 = arith.constant 16 : i32
      %mul3A_53 = arith.muli %select_n3A_51, %mul3A_52 : i32
      %get3A = arith.index_cast %select_n3A : i32 to index
      %get3A_54 = arith.index_cast %mul3A_53 : i32 to index
      %get3A_55 = tpu.vector_load %arg7[%get3A, %get3A_54] {strides = array<i32>} : memref<80x128xi32, #tpu.memory_space<vmem>>, vector<1x16xi32>,
      %get3A_56 = vector.shape_cast %get3A_55 : vector<1x16xi32> to vector<16xi32>
      %add3A_57 = vector.broadcast %mul3A_0 : i32 to vector<16xi32>
      %add3A_58 = arith.addi %get3A_56, %add3A_57 : vector<16xi32>
      %swap3A = arith.index_cast %select_n3A : i32 to index
      %swap3A_59 = arith.index_cast %mul3A_53 : i32 to index
      %swap3A_60 = tpu.vector_load %arg7[%swap3A, %swap3A_59] {strides = array<i32>} : memref<80x128xi32, #tpu.memory_space<vmem>>, vector<1x16xi32>,
      %swap3A_61 = vector.shape_cast %swap3A_60 : vector<1x16xi32> to vector<16xi32>
      %swap3A_62 = vector.shape_cast %add3A_58 : vector<16xi32> to vector<1x16xi32>
      tpu.vector_store %arg7[%swap3A, %swap3A_59], %swap3A_62 {strides = array<i32>} : memref<80x128xi32, #tpu.memory_space<vmem>>, vector<1x16xi32>,
    }
    %scan3A_9 = arith.constant 640 : i32
    %barrier3A = arith.constant 0 : index
    tpu.barrier barrier_id(%barrier3A)
    %scan3A_10 = arith.constant 0 : i32
    %scan3A_11 = arith.constant 0 : i32
    %scan3A_12 = arith.constant 80 : i32
    %scan3A_13 = arith.addi %scan3A_11, %scan3A_12 : i32
    %scan3A_14 = arith.constant 1 : i32
    scf.for %scan3A_21 = %scan3A_11 to %scan3A_13 step %scan3A_14  : i32 {
      "tpu.region"() ({
        %run_scoped3A = tpu.sem_alloc : memref<!tpu.dma_semaphore, #tpu.memory_space<semaphore_mem>>
        %dma_start3A = arith.constant 0 : i32
        %dma_start3A_22 = tpu.memref_slice %arg7[%scan3A_21, %dma_start3A] : memref<80x128xi32, #tpu.memory_space<vmem>> -> memref<1x128xi32, #tpu.memory_space<vmem>>
        %dma_start3A_23 = tpu.memref_squeeze %dma_start3A_22 : memref<1x128xi32, #tpu.memory_space<vmem>> -> memref<128xi32, #tpu.memory_space<vmem>>
        %dma_start3A_24 = arith.constant 0 : i32
        %dma_start3A_25 = arith.constant 0 : i32
        %dma_start3A_26 = tpu.memref_slice %arg2[%dma_start3A_24, %dma_start3A_25] : memref<20480x128xf32, #tpu.memory_space<hbm>> -> memref<20480x128xf32, #tpu.memory_space<hbm>>
        tpu.enqueue_indirect_dma source(%dma_start3A_26 : memref<20480x128xf32, #tpu.memory_space<hbm>>) target(%arg9 : memref<128x128xf32, #tpu.memory_space<vmem>>) offsets(%dma_start3A_23 : memref<128xi32, #tpu.memory_space<vmem>>) semaphore(%run_scoped3A : memref<!tpu.dma_semaphore, #tpu.memory_space<semaphore_mem>>)
        %dma_wait3A = arith.constant 0 : i32
        %dma_wait3A_27 = tpu.memref_slice %arg7[%scan3A_21, %dma_wait3A] : memref<80x128xi32, #tpu.memory_space<vmem>> -> memref<1x128xi32, #tpu.memory_space<vmem>>
        %dma_wait3A_28 = tpu.memref_squeeze %dma_wait3A_27 : memref<1x128xi32, #tpu.memory_space<vmem>> -> memref<128xi32, #tpu.memory_space<vmem>>
        %dma_wait3A_29 = arith.constant 0 : i32
        %dma_wait3A_30 = arith.constant 0 : i32
        %dma_wait3A_31 = tpu.memref_slice %arg2[%dma_wait3A_29, %dma_wait3A_30] : memref<20480x128xf32, #tpu.memory_space<hbm>> -> memref<20480x128xf32, #tpu.memory_space<hbm>>
        tpu.wait_indirect_dma semaphore(%run_scoped3A : memref<!tpu.dma_semaphore, #tpu.memory_space<semaphore_mem>>) src(%dma_wait3A_31 : memref<20480x128xf32, #tpu.memory_space<hbm>>) dst(%arg9 : memref<128x128xf32, #tpu.memory_space<vmem>>)
        tpu.yield
      }) : () -> ()
      "tpu.region"() ({
        %run_scoped3A = tpu.sem_alloc : memref<!tpu.dma_semaphore, #tpu.memory_space<semaphore_mem>>
        %dma_start3A = arith.constant 0 : i32
        %dma_start3A_22 = tpu.memref_slice %arg8[%scan3A_21, %dma_start3A] : memref<80x128xi32, #tpu.memory_space<vmem>> -> memref<1x128xi32, #tpu.memory_space<vmem>>
        %dma_start3A_23 = tpu.memref_squeeze %dma_start3A_22 : memref<1x128xi32, #tpu.memory_space<vmem>> -> memref<128xi32, #tpu.memory_space<vmem>>
        %dma_start3A_24 = arith.constant 0 : i32
        %dma_start3A_25 = arith.constant 0 : i32
        %dma_start3A_26 = tpu.memref_slice %arg6[%dma_start3A_24, %dma_start3A_25] : memref<10240x128xf32, #tpu.memory_space<vmem_shared>> -> memref<10240x128xf32, #tpu.memory_space<vmem_shared>>
        tpu.enqueue_indirect_dma source(%arg9 : memref<128x128xf32, #tpu.memory_space<vmem>>) target(%dma_start3A_26 : memref<10240x128xf32, #tpu.memory_space<vmem_shared>>) offsets(%dma_start3A_23 : memref<128xi32, #tpu.memory_space<vmem>>) semaphore(%run_scoped3A : memref<!tpu.dma_semaphore, #tpu.memory_space<semaphore_mem>>) {add = true}
        %dma_wait3A = arith.constant 0 : i32
        %dma_wait3A_27 = tpu.memref_slice %arg8[%scan3A_21, %dma_wait3A] : memref<80x128xi32, #tpu.memory_space<vmem>> -> memref<1x128xi32, #tpu.memory_space<vmem>>
        %dma_wait3A_28 = tpu.memref_squeeze %dma_wait3A_27 : memref<1x128xi32, #tpu.memory_space<vmem>> -> memref<128xi32, #tpu.memory_space<vmem>>
        %dma_wait3A_29 = arith.constant 0 : i32
        %dma_wait3A_30 = arith.constant 0 : i32
        %dma_wait3A_31 = tpu.memref_slice %arg6[%dma_wait3A_29, %dma_wait3A_30] : memref<10240x128xf32, #tpu.memory_space<vmem_shared>> -> memref<10240x128xf32, #tpu.memory_space<vmem_shared>>
        tpu.wait_indirect_dma semaphore(%run_scoped3A : memref<!tpu.dma_semaphore, #tpu.memory_space<semaphore_mem>>) src(%arg9 : memref<128x128xf32, #tpu.memory_space<vmem>>) dst(%dma_wait3A_31 : memref<10240x128xf32, #tpu.memory_space<vmem_shared>>)
        tpu.yield
      }) : () -> ()
    }
    %scan3A_15 = arith.constant 80 : i32
    %barrier3A_16 = arith.constant 0 : index
    tpu.barrier barrier_id(%barrier3A_16)
    %mul3A_17 = arith.constant 640 : i32
    %mul3A_18 = arith.muli %arg1, %mul3A_17 : i32
    %mul3A_19 = arith.constant 640 : i32
    %mul3A_20 = arith.muli %arg1, %mul3A_19 : i32
    "tpu.region"() ({
      %run_scoped3A = tpu.sem_alloc : memref<!tpu.dma_semaphore, #tpu.memory_space<semaphore_mem>>
      %dma_start3A = arith.constant 0 : i32
      %dma_start3A_21 = tpu.memref_slice %arg5[%arg0, %mul3A_20, %dma_start3A] : memref<2x10240x128xf32, #tpu.memory_space<hbm>> -> memref<1x640x128xf32, #tpu.memory_space<hbm>>
      %dma_start3A_22 = tpu.memref_squeeze %dma_start3A_21 : memref<1x640x128xf32, #tpu.memory_space<hbm>> -> memref<640x128xf32, #tpu.memory_space<hbm>>
      %dma_start3A_23 = arith.constant 0 : i32
      %dma_start3A_24 = tpu.memref_slice %arg6[%mul3A_18, %dma_start3A_23] : memref<10240x128xf32, #tpu.memory_space<vmem_shared>> -> memref<640x128xf32, #tpu.memory_space<vmem_shared>>
      tpu.enqueue_dma source(%dma_start3A_24 : memref<640x128xf32, #tpu.memory_space<vmem_shared>>) target(%dma_start3A_22 : memref<640x128xf32, #tpu.memory_space<hbm>>) target_semaphore(%run_scoped3A : memref<!tpu.dma_semaphore, #tpu.memory_space<semaphore_mem>>)
      %dma_wait3A = arith.constant 0 : i32
      %dma_wait3A_25 = tpu.memref_slice %arg5[%arg0, %mul3A_20, %dma_wait3A] : memref<2x10240x128xf32, #tpu.memory_space<hbm>> -> memref<1x640x128xf32, #tpu.memory_space<hbm>>
      %dma_wait3A_26 = tpu.memref_squeeze %dma_wait3A_25 : memref<1x640x128xf32, #tpu.memory_space<hbm>> -> memref<640x128xf32, #tpu.memory_space<hbm>>
      %dma_wait3A_27 = arith.constant 0 : i32
      %dma_wait3A_28 = tpu.memref_slice %arg6[%mul3A_18, %dma_wait3A_27] : memref<10240x128xf32, #tpu.memory_space<vmem_shared>> -> memref<640x128xf32, #tpu.memory_space<vmem_shared>>
      tpu.wait_dma2 semaphore(%run_scoped3A : memref<!tpu.dma_semaphore, #tpu.memory_space<semaphore_mem>>) src(%dma_wait3A_28 : memref<640x128xf32, #tpu.memory_space<vmem_shared>>) dst(%dma_wait3A_26 : memref<640x128xf32, #tpu.memory_space<hbm>>)
      tpu.yield
    }) : () -> ()
    return
  }
}

module attributes {stable_mosaic.version = 14 : i64} {
  func.func @_finish_mm_body(%arg0: i32, %arg1: memref<1x1000x128xf32, #tpu.memory_space<vmem>>, %arg2: memref<1x1000x128xf32, #tpu.memory_space<vmem>>, %arg3: memref<2x1000x16xf32, #tpu.memory_space<vmem>>, %arg4: memref<1x256xf32, #tpu.memory_space<vmem>>, %arg5: memref<1x256xf32, #tpu.memory_space<vmem>>, %arg6: memref<1x256xf32, #tpu.memory_space<vmem>>, %arg7: memref<256x256xf32, #tpu.memory_space<vmem>>, %arg8: memref<1000x256xf32, #tpu.memory_space<vmem>>, %arg9: memref<2x1000x128xf32, #tpu.memory_space<vmem>>) attributes {dimension_semantics = [#tpu.dimension_semantics<arbitrary>], iteration_bounds = array<i64: 10>, scalar_prefetch = 0 : i64, scratch_operands = 0 : i64, tpu.core_type = #tpu.core_type<tc>, window_params = [{transform_indices = @transform_0, window_bounds = array<i64: 1, 1000, 128>}, {transform_indices = @transform_1, window_bounds = array<i64: 1, 1000, 128>}, {transform_indices = @transform_2, window_bounds = array<i64: 2, 1000, 16>}, {pipeline_mode = #tpu.pipeline_mode<synchronous>, transform_indices = @transform_3, window_bounds = array<i64: 1, 256>}, {pipeline_mode = #tpu.pipeline_mode<synchronous>, transform_indices = @transform_4, window_bounds = array<i64: 1, 256>}, {pipeline_mode = #tpu.pipeline_mode<synchronous>, transform_indices = @transform_5, window_bounds = array<i64: 1, 256>}, {pipeline_mode = #tpu.pipeline_mode<synchronous>, transform_indices = @transform_6, window_bounds = array<i64: 256, 256>}, {transform_indices = @transform_7, window_bounds = array<i64: 1000, 256>}, {transform_indices = @transform_8, window_bounds = array<i64: 2, 1000, 128>}]} {
    %get3A = arith.constant 0 : index
    %get3A_0 = arith.constant 0 : index
    %get3A_1 = arith.constant 0 : index
    %get3A_2 = vector.load %arg3[%get3A, %get3A_0, %get3A_1] : memref<2x1000x16xf32, #tpu.memory_space<vmem>>, vector<1x1000x1xf32>
    %get3A_3 = vector.shape_cast %get3A_2 : vector<1x1000x1xf32> to vector<1000x1xf32>
    %add3A = arith.constant 1.000000e+00 : f32
    %add3A_4 = vector.broadcast %add3A : f32 to vector<1000x1xf32>
    %add3A_5 = arith.addf %add3A_4, %get3A_3 : vector<1000x1xf32>
    %get3A_6 = arith.constant 1 : index
    %get3A_7 = arith.constant 0 : index
    %get3A_8 = arith.constant 0 : index
    %get3A_9 = vector.load %arg3[%get3A_6, %get3A_7, %get3A_8] : memref<2x1000x16xf32, #tpu.memory_space<vmem>>, vector<1x1000x1xf32>
    %get3A_10 = vector.shape_cast %get3A_9 : vector<1x1000x1xf32> to vector<1000x1xf32>
    %add3A_11 = arith.addf %add3A_5, %get3A_10 : vector<1000x1xf32>
    %rsqrt3A = math.rsqrt %add3A_11 : vector<1000x1xf32>
    %get3A_12 = arith.constant 0 : index
    %get3A_13 = arith.constant 0 : index
    %get3A_14 = arith.constant 0 : index
    %get3A_15 = vector.load %arg1[%get3A_12, %get3A_13, %get3A_14] : memref<1x1000x128xf32, #tpu.memory_space<vmem>>, vector<1x1000x128xf32>
    %get3A_16 = vector.shape_cast %get3A_15 : vector<1x1000x128xf32> to vector<1000x128xf32>
    %get3A_17 = arith.constant 0 : index
    %get3A_18 = arith.constant 0 : index
    %get3A_19 = arith.constant 0 : index
    %get3A_20 = vector.load %arg2[%get3A_17, %get3A_18, %get3A_19] : memref<1x1000x128xf32, #tpu.memory_space<vmem>>, vector<1x1000x128xf32>
    %get3A_21 = vector.shape_cast %get3A_20 : vector<1x1000x128xf32> to vector<1000x128xf32>
    %concatenate3A = tpu.concatenate %get3A_16, %get3A_21 in 1 : vector<1000x128xf32>, vector<1000x128xf32> -> vector<1000x256xf32>
    %mul3A = vector.broadcast %rsqrt3A : vector<1000x1xf32> to vector<1000x256xf32>
    %mul3A_22 = arith.mulf %concatenate3A, %mul3A : vector<1000x256xf32>
    %get3A_23 = arith.constant 0 : index
    %get3A_24 = arith.constant 0 : index
    %get3A_25 = vector.load %arg4[%get3A_23, %get3A_24] : memref<1x256xf32, #tpu.memory_space<vmem>>, vector<1x256xf32>
    %add3A_26 = vector.broadcast %get3A_25 : vector<1x256xf32> to vector<1000x256xf32>
    %add3A_27 = arith.addf %mul3A_22, %add3A_26 : vector<1000x256xf32>
    %reduce_sum3A = arith.constant dense<0.000000e+00> : vector<1000xf32>
    %reduce_sum3A_28 = vector.multi_reduction <add>, %add3A_27, %reduce_sum3A [1] : vector<1000x256xf32> to vector<1000xf32>
    %broadcast_in_dim3A = vector.shape_cast %reduce_sum3A_28 : vector<1000xf32> to vector<1000x1xf32>
    %div3A = arith.constant 2.560000e+02 : f32
    %div3A_29 = vector.broadcast %div3A : f32 to vector<1000x1xf32>
    %div3A_30 = arith.divf %broadcast_in_dim3A, %div3A_29 : vector<1000x1xf32>
    %sub3A = vector.broadcast %div3A_30 : vector<1000x1xf32> to vector<1000x256xf32>
    %sub3A_31 = arith.subf %add3A_27, %sub3A : vector<1000x256xf32>
    %mul3A_32 = arith.mulf %sub3A_31, %sub3A_31 : vector<1000x256xf32>
    %reduce_sum3A_33 = arith.constant dense<0.000000e+00> : vector<1000xf32>
    %reduce_sum3A_34 = vector.multi_reduction <add>, %mul3A_32, %reduce_sum3A_33 [1] : vector<1000x256xf32> to vector<1000xf32>
    %broadcast_in_dim3A_35 = vector.shape_cast %reduce_sum3A_34 : vector<1000xf32> to vector<1000x1xf32>
    %div3A_36 = arith.constant 2.560000e+02 : f32
    %div3A_37 = vector.broadcast %div3A_36 : f32 to vector<1000x1xf32>
    %div3A_38 = arith.divf %broadcast_in_dim3A_35, %div3A_37 : vector<1000x1xf32>
    %add3A_39 = arith.constant 9.99999974E-6 : f32
    %add3A_40 = vector.broadcast %add3A_39 : f32 to vector<1000x1xf32>
    %add3A_41 = arith.addf %div3A_38, %add3A_40 : vector<1000x1xf32>
    %rsqrt3A_42 = math.rsqrt %add3A_41 : vector<1000x1xf32>
    %mul3A_43 = vector.broadcast %rsqrt3A_42 : vector<1000x1xf32> to vector<1000x256xf32>
    %mul3A_44 = arith.mulf %sub3A_31, %mul3A_43 : vector<1000x256xf32>
    %get3A_45 = arith.constant 0 : index
    %get3A_46 = arith.constant 0 : index
    %get3A_47 = vector.load %arg5[%get3A_45, %get3A_46] : memref<1x256xf32, #tpu.memory_space<vmem>>, vector<1x256xf32>
    %mul3A_48 = vector.broadcast %get3A_47 : vector<1x256xf32> to vector<1000x256xf32>
    %mul3A_49 = arith.mulf %mul3A_44, %mul3A_48 : vector<1000x256xf32>
    %get3A_50 = arith.constant 0 : index
    %get3A_51 = arith.constant 0 : index
    %get3A_52 = vector.load %arg6[%get3A_50, %get3A_51] : memref<1x256xf32, #tpu.memory_space<vmem>>, vector<1x256xf32>
    %add3A_53 = vector.broadcast %get3A_52 : vector<1x256xf32> to vector<1000x256xf32>
    %add3A_54 = arith.addf %mul3A_49, %add3A_53 : vector<1000x256xf32>
    %max3A = arith.constant 0.000000e+00 : f32
    %max3A_55 = vector.broadcast %max3A : f32 to vector<1000x256xf32>
    %max3A_56 = arith.maximumf %add3A_54, %max3A_55 : vector<1000x256xf32>
    %swap3A = arith.constant 0 : index
    %swap3A_57 = arith.constant 0 : index
    %swap3A_58 = vector.load %arg8[%swap3A, %swap3A_57] : memref<1000x256xf32, #tpu.memory_space<vmem>>, vector<1000x256xf32>
    tpu.vector_store %arg8[%swap3A, %swap3A_57], %max3A_56 {strides = array<i32>} : memref<1000x256xf32, #tpu.memory_space<vmem>>, vector<1000x256xf32>,
    %get3A_59 = arith.constant 0 : index
    %get3A_60 = arith.constant 0 : index
    %get3A_61 = vector.load %arg7[%get3A_59, %get3A_60] : memref<256x256xf32, #tpu.memory_space<vmem>>, vector<256x256xf32>
    %dot_general3A = arith.constant dense<0.000000e+00> : vector<1000x256xf32>
    %dot_general3A_62 = tpu.matmul %max3A_56, %get3A_61, %dot_general3A {dimension_numbers = #tpu.dot_dimension_numbers<[1], [0], [0], [1], [0, 0, 1, 1], [], []>, transpose_lhs_hint = false} : vector<1000x256xf32>, vector<256x256xf32>, vector<1000x256xf32> -> vector<1000x256xf32>
    %mul3A_63 = vector.broadcast %rsqrt3A : vector<1000x1xf32> to vector<1000x256xf32>
    %mul3A_64 = arith.mulf %dot_general3A_62, %mul3A_63 : vector<1000x256xf32>
    %slice3A = vector.extract_strided_slice %mul3A_64 {offsets = [0, 0], sizes = [1000, 128], strides = [1, 1]} : vector<1000x256xf32> to vector<1000x128xf32>
    %slice3A_65 = vector.extract_strided_slice %mul3A_64 {offsets = [0, 128], sizes = [1000, 128], strides = [1, 1]} : vector<1000x256xf32> to vector<1000x128xf32>
    %stack3A = vector.shape_cast %slice3A : vector<1000x128xf32> to vector<1x1000x128xf32>
    %stack3A_66 = vector.shape_cast %slice3A_65 : vector<1000x128xf32> to vector<1x1000x128xf32>
    %stack3A_67 = tpu.concatenate %stack3A, %stack3A_66 in 0 : vector<1x1000x128xf32>, vector<1x1000x128xf32> -> vector<2x1000x128xf32>
    %swap3A_68 = arith.constant 0 : index
    %swap3A_69 = arith.constant 0 : index
    %swap3A_70 = arith.constant 0 : index
    %swap3A_71 = vector.load %arg9[%swap3A_68, %swap3A_69, %swap3A_70] : memref<2x1000x128xf32, #tpu.memory_space<vmem>>, vector<2x1000x128xf32>
    tpu.vector_store %arg9[%swap3A_68, %swap3A_69, %swap3A_70], %stack3A_67 {strides = array<i32>} : memref<2x1000x128xf32, #tpu.memory_space<vmem>>, vector<2x1000x128xf32>,
    return
  }
  func.func @transform_0(%arg0: i32) -> (i32, i32, i32) {
    %c0_i32 = arith.constant 0 : i32
    %c0_i32_0 = arith.constant 0 : i32
    %c0_i32_1 = arith.constant 0 : i32
    return %c0_i32, %arg0, %c0_i32_0 : i32, i32, i32
  }
  func.func @transform_1(%arg0: i32) -> (i32, i32, i32) {
    %c1_i32 = arith.constant 1 : i32
    %c0_i32 = arith.constant 0 : i32
    %c0_i32_0 = arith.constant 0 : i32
    return %c1_i32, %arg0, %c0_i32 : i32, i32, i32
  }
  func.func @transform_2(%arg0: i32) -> (i32, i32, i32) {
    %c0_i32 = arith.constant 0 : i32
    %c0_i32_0 = arith.constant 0 : i32
    %c0_i32_1 = arith.constant 0 : i32
    return %c0_i32, %arg0, %c0_i32_0 : i32, i32, i32
  }
  func.func @transform_3(%arg0: i32) -> (i32, i32) {
    %c0_i32 = arith.constant 0 : i32
    %c0_i32_0 = arith.constant 0 : i32
    %c0_i32_1 = arith.constant 0 : i32
    return %c0_i32, %c0_i32_0 : i32, i32
  }
  func.func @transform_4(%arg0: i32) -> (i32, i32) {
    %c0_i32 = arith.constant 0 : i32
    %c0_i32_0 = arith.constant 0 : i32
    %c0_i32_1 = arith.constant 0 : i32
    return %c0_i32, %c0_i32_0 : i32, i32
  }
  func.func @transform_5(%arg0: i32) -> (i32, i32) {
    %c0_i32 = arith.constant 0 : i32
    %c0_i32_0 = arith.constant 0 : i32
    %c0_i32_1 = arith.constant 0 : i32
    return %c0_i32, %c0_i32_0 : i32, i32
  }
  func.func @transform_6(%arg0: i32) -> (i32, i32) {
    %c0_i32 = arith.constant 0 : i32
    %c0_i32_0 = arith.constant 0 : i32
    %c0_i32_1 = arith.constant 0 : i32
    return %c0_i32, %c0_i32_0 : i32, i32
  }
  func.func @transform_7(%arg0: i32) -> (i32, i32) {
    %c0_i32 = arith.constant 0 : i32
    %c0_i32_0 = arith.constant 0 : i32
    return %arg0, %c0_i32 : i32, i32
  }
  func.func @transform_8(%arg0: i32) -> (i32, i32, i32) {
    %c0_i32 = arith.constant 0 : i32
    %c0_i32_0 = arith.constant 0 : i32
    %c0_i32_1 = arith.constant 0 : i32
    return %c0_i32, %arg0, %c0_i32_0 : i32, i32, i32
  }
}

module attributes {stable_mosaic.version = 14 : i64} {
  func.func @_mm_scale_body(%arg0: i32, %arg1: i32, %arg2: memref<1000x256xf32, #tpu.memory_space<vmem>>, %arg3: memref<256x128xf32, #tpu.memory_space<vmem>>, %arg4: memref<2x1000x16xf32, #tpu.memory_space<vmem>>, %arg5: memref<1x1000x128xf32, #tpu.memory_space<vmem>>) attributes {dimension_semantics = [#tpu.dimension_semantics<arbitrary>, #tpu.dimension_semantics<arbitrary>], iteration_bounds = array<i64: 10, 2>, scalar_prefetch = 0 : i64, scratch_operands = 0 : i64, tpu.core_type = #tpu.core_type<tc>, window_params = [{transform_indices = @transform_0, window_bounds = array<i64: 1000, 256>}, {transform_indices = @transform_1, window_bounds = array<i64: 256, 128>}, {transform_indices = @transform_2, window_bounds = array<i64: 2, 1000, 16>}, {transform_indices = @transform_3, window_bounds = array<i64: 1, 1000, 128>}]} {
    %get3A = arith.constant 0 : index
    %get3A_0 = arith.constant 0 : index
    %get3A_1 = vector.load %arg2[%get3A, %get3A_0] : memref<1000x256xf32, #tpu.memory_space<vmem>>, vector<1000x256xf32>
    %get3A_2 = arith.constant 0 : index
    %get3A_3 = arith.constant 0 : index
    %get3A_4 = vector.load %arg3[%get3A_2, %get3A_3] : memref<256x128xf32, #tpu.memory_space<vmem>>, vector<256x128xf32>
    %dot_general3A = arith.constant dense<0.000000e+00> : vector<1000x128xf32>
    %dot_general3A_5 = tpu.matmul %get3A_1, %get3A_4, %dot_general3A {dimension_numbers = #tpu.dot_dimension_numbers<[1], [0], [0], [1], [0, 0, 1, 1], [], []>, transpose_lhs_hint = false} : vector<1000x256xf32>, vector<256x128xf32>, vector<1000x128xf32> -> vector<1000x128xf32>
    %get3A_6 = arith.constant 0 : index
    %get3A_7 = arith.constant 0 : index
    %get3A_8 = arith.constant 0 : index
    %get3A_9 = vector.load %arg4[%get3A_6, %get3A_7, %get3A_8] : memref<2x1000x16xf32, #tpu.memory_space<vmem>>, vector<1x1000x1xf32>
    %get3A_10 = vector.shape_cast %get3A_9 : vector<1x1000x1xf32> to vector<1000x1xf32>
    %add3A = arith.constant 1.000000e+00 : f32
    %add3A_11 = vector.broadcast %add3A : f32 to vector<1000x1xf32>
    %add3A_12 = arith.addf %add3A_11, %get3A_10 : vector<1000x1xf32>
    %get3A_13 = arith.constant 1 : index
    %get3A_14 = arith.constant 0 : index
    %get3A_15 = arith.constant 0 : index
    %get3A_16 = vector.load %arg4[%get3A_13, %get3A_14, %get3A_15] : memref<2x1000x16xf32, #tpu.memory_space<vmem>>, vector<1x1000x1xf32>
    %get3A_17 = vector.shape_cast %get3A_16 : vector<1x1000x1xf32> to vector<1000x1xf32>
    %add3A_18 = arith.addf %add3A_12, %get3A_17 : vector<1000x1xf32>
    %rsqrt3A = math.rsqrt %add3A_18 : vector<1000x1xf32>
    %mul3A = vector.broadcast %rsqrt3A : vector<1000x1xf32> to vector<1000x128xf32>
    %mul3A_19 = arith.mulf %dot_general3A_5, %mul3A : vector<1000x128xf32>
    %swap3A = arith.constant 0 : index
    %swap3A_20 = arith.constant 0 : index
    %swap3A_21 = arith.constant 0 : index
    %swap3A_22 = vector.load %arg5[%swap3A, %swap3A_20, %swap3A_21] : memref<1x1000x128xf32, #tpu.memory_space<vmem>>, vector<1x1000x128xf32>
    %swap3A_23 = vector.shape_cast %swap3A_22 : vector<1x1000x128xf32> to vector<1000x128xf32>
    %swap3A_24 = vector.shape_cast %mul3A_19 : vector<1000x128xf32> to vector<1x1000x128xf32>
    tpu.vector_store %arg5[%swap3A, %swap3A_20, %swap3A_21], %swap3A_24 {strides = array<i32>} : memref<1x1000x128xf32, #tpu.memory_space<vmem>>, vector<1x1000x128xf32>,
    return
  }
  func.func @transform_0(%arg0: i32, %arg1: i32) -> (i32, i32) {
    %c0_i32 = arith.constant 0 : i32
    %c0_i32_0 = arith.constant 0 : i32
    return %arg0, %c0_i32 : i32, i32
  }
  func.func @transform_1(%arg0: i32, %arg1: i32) -> (i32, i32) {
    %c0_i32 = arith.constant 0 : i32
    %c0_i32_0 = arith.constant 0 : i32
    return %c0_i32, %arg1 : i32, i32
  }
  func.func @transform_2(%arg0: i32, %arg1: i32) -> (i32, i32, i32) {
    %c0_i32 = arith.constant 0 : i32
    %c0_i32_0 = arith.constant 0 : i32
    %c0_i32_1 = arith.constant 0 : i32
    return %c0_i32, %arg0, %c0_i32_0 : i32, i32, i32
  }
  func.func @transform_3(%arg0: i32, %arg1: i32) -> (i32, i32, i32) {
    %c0_i32 = arith.constant 0 : i32
    %c0_i32_0 = arith.constant 0 : i32
    return %arg1, %arg0, %c0_i32 : i32, i32, i32
  }
}

module attributes {stable_mosaic.version = 14 : i64} {
  func.func @_finish_body(%arg0: i32, %arg1: memref<1x1000x128xf32, #tpu.memory_space<vmem>>, %arg2: memref<1x1000x128xf32, #tpu.memory_space<vmem>>, %arg3: memref<2x1000x16xf32, #tpu.memory_space<vmem>>, %arg4: memref<1x256xf32, #tpu.memory_space<vmem>>, %arg5: memref<1x256xf32, #tpu.memory_space<vmem>>, %arg6: memref<1x256xf32, #tpu.memory_space<vmem>>, %arg7: memref<1000x256xf32, #tpu.memory_space<vmem>>) attributes {dimension_semantics = [#tpu.dimension_semantics<arbitrary>], iteration_bounds = array<i64: 10>, scalar_prefetch = 0 : i64, scratch_operands = 0 : i64, tpu.core_type = #tpu.core_type<tc>, window_params = [{transform_indices = @transform_0, window_bounds = array<i64: 1, 1000, 128>}, {transform_indices = @transform_1, window_bounds = array<i64: 1, 1000, 128>}, {transform_indices = @transform_2, window_bounds = array<i64: 2, 1000, 16>}, {pipeline_mode = #tpu.pipeline_mode<synchronous>, transform_indices = @transform_3, window_bounds = array<i64: 1, 256>}, {pipeline_mode = #tpu.pipeline_mode<synchronous>, transform_indices = @transform_4, window_bounds = array<i64: 1, 256>}, {pipeline_mode = #tpu.pipeline_mode<synchronous>, transform_indices = @transform_5, window_bounds = array<i64: 1, 256>}, {transform_indices = @transform_6, window_bounds = array<i64: 1000, 256>}]} {
    %get3A = arith.constant 0 : index
    %get3A_0 = arith.constant 0 : index
    %get3A_1 = arith.constant 0 : index
    %get3A_2 = vector.load %arg3[%get3A, %get3A_0, %get3A_1] : memref<2x1000x16xf32, #tpu.memory_space<vmem>>, vector<1x1000x1xf32>
    %get3A_3 = vector.shape_cast %get3A_2 : vector<1x1000x1xf32> to vector<1000x1xf32>
    %add3A = arith.constant 1.000000e+00 : f32
    %add3A_4 = vector.broadcast %add3A : f32 to vector<1000x1xf32>
    %add3A_5 = arith.addf %add3A_4, %get3A_3 : vector<1000x1xf32>
    %get3A_6 = arith.constant 1 : index
    %get3A_7 = arith.constant 0 : index
    %get3A_8 = arith.constant 0 : index
    %get3A_9 = vector.load %arg3[%get3A_6, %get3A_7, %get3A_8] : memref<2x1000x16xf32, #tpu.memory_space<vmem>>, vector<1x1000x1xf32>
    %get3A_10 = vector.shape_cast %get3A_9 : vector<1x1000x1xf32> to vector<1000x1xf32>
    %add3A_11 = arith.addf %add3A_5, %get3A_10 : vector<1000x1xf32>
    %rsqrt3A = math.rsqrt %add3A_11 : vector<1000x1xf32>
    %get3A_12 = arith.constant 0 : index
    %get3A_13 = arith.constant 0 : index
    %get3A_14 = arith.constant 0 : index
    %get3A_15 = vector.load %arg1[%get3A_12, %get3A_13, %get3A_14] : memref<1x1000x128xf32, #tpu.memory_space<vmem>>, vector<1x1000x128xf32>
    %get3A_16 = vector.shape_cast %get3A_15 : vector<1x1000x128xf32> to vector<1000x128xf32>
    %get3A_17 = arith.constant 0 : index
    %get3A_18 = arith.constant 0 : index
    %get3A_19 = arith.constant 0 : index
    %get3A_20 = vector.load %arg2[%get3A_17, %get3A_18, %get3A_19] : memref<1x1000x128xf32, #tpu.memory_space<vmem>>, vector<1x1000x128xf32>
    %get3A_21 = vector.shape_cast %get3A_20 : vector<1x1000x128xf32> to vector<1000x128xf32>
    %concatenate3A = tpu.concatenate %get3A_16, %get3A_21 in 1 : vector<1000x128xf32>, vector<1000x128xf32> -> vector<1000x256xf32>
    %mul3A = vector.broadcast %rsqrt3A : vector<1000x1xf32> to vector<1000x256xf32>
    %mul3A_22 = arith.mulf %concatenate3A, %mul3A : vector<1000x256xf32>
    %get3A_23 = arith.constant 0 : index
    %get3A_24 = arith.constant 0 : index
    %get3A_25 = vector.load %arg4[%get3A_23, %get3A_24] : memref<1x256xf32, #tpu.memory_space<vmem>>, vector<1x256xf32>
    %add3A_26 = vector.broadcast %get3A_25 : vector<1x256xf32> to vector<1000x256xf32>
    %add3A_27 = arith.addf %mul3A_22, %add3A_26 : vector<1000x256xf32>
    %reduce_sum3A = arith.constant dense<0.000000e+00> : vector<1000xf32>
    %reduce_sum3A_28 = vector.multi_reduction <add>, %add3A_27, %reduce_sum3A [1] : vector<1000x256xf32> to vector<1000xf32>
    %broadcast_in_dim3A = vector.shape_cast %reduce_sum3A_28 : vector<1000xf32> to vector<1000x1xf32>
    %div3A = arith.constant 2.560000e+02 : f32
    %div3A_29 = vector.broadcast %div3A : f32 to vector<1000x1xf32>
    %div3A_30 = arith.divf %broadcast_in_dim3A, %div3A_29 : vector<1000x1xf32>
    %sub3A = vector.broadcast %div3A_30 : vector<1000x1xf32> to vector<1000x256xf32>
    %sub3A_31 = arith.subf %add3A_27, %sub3A : vector<1000x256xf32>
    %mul3A_32 = arith.mulf %sub3A_31, %sub3A_31 : vector<1000x256xf32>
    %reduce_sum3A_33 = arith.constant dense<0.000000e+00> : vector<1000xf32>
    %reduce_sum3A_34 = vector.multi_reduction <add>, %mul3A_32, %reduce_sum3A_33 [1] : vector<1000x256xf32> to vector<1000xf32>
    %broadcast_in_dim3A_35 = vector.shape_cast %reduce_sum3A_34 : vector<1000xf32> to vector<1000x1xf32>
    %div3A_36 = arith.constant 2.560000e+02 : f32
    %div3A_37 = vector.broadcast %div3A_36 : f32 to vector<1000x1xf32>
    %div3A_38 = arith.divf %broadcast_in_dim3A_35, %div3A_37 : vector<1000x1xf32>
    %add3A_39 = arith.constant 9.99999974E-6 : f32
    %add3A_40 = vector.broadcast %add3A_39 : f32 to vector<1000x1xf32>
    %add3A_41 = arith.addf %div3A_38, %add3A_40 : vector<1000x1xf32>
    %rsqrt3A_42 = math.rsqrt %add3A_41 : vector<1000x1xf32>
    %mul3A_43 = vector.broadcast %rsqrt3A_42 : vector<1000x1xf32> to vector<1000x256xf32>
    %mul3A_44 = arith.mulf %sub3A_31, %mul3A_43 : vector<1000x256xf32>
    %get3A_45 = arith.constant 0 : index
    %get3A_46 = arith.constant 0 : index
    %get3A_47 = vector.load %arg5[%get3A_45, %get3A_46] : memref<1x256xf32, #tpu.memory_space<vmem>>, vector<1x256xf32>
    %mul3A_48 = vector.broadcast %get3A_47 : vector<1x256xf32> to vector<1000x256xf32>
    %mul3A_49 = arith.mulf %mul3A_44, %mul3A_48 : vector<1000x256xf32>
    %get3A_50 = arith.constant 0 : index
    %get3A_51 = arith.constant 0 : index
    %get3A_52 = vector.load %arg6[%get3A_50, %get3A_51] : memref<1x256xf32, #tpu.memory_space<vmem>>, vector<1x256xf32>
    %add3A_53 = vector.broadcast %get3A_52 : vector<1x256xf32> to vector<1000x256xf32>
    %add3A_54 = arith.addf %mul3A_49, %add3A_53 : vector<1000x256xf32>
    %max3A = arith.constant 0.000000e+00 : f32
    %max3A_55 = vector.broadcast %max3A : f32 to vector<1000x256xf32>
    %max3A_56 = arith.maximumf %add3A_54, %max3A_55 : vector<1000x256xf32>
    %swap3A = arith.constant 0 : index
    %swap3A_57 = arith.constant 0 : index
    %swap3A_58 = vector.load %arg7[%swap3A, %swap3A_57] : memref<1000x256xf32, #tpu.memory_space<vmem>>, vector<1000x256xf32>
    tpu.vector_store %arg7[%swap3A, %swap3A_57], %max3A_56 {strides = array<i32>} : memref<1000x256xf32, #tpu.memory_space<vmem>>, vector<1000x256xf32>,
    return
  }
  func.func @transform_0(%arg0: i32) -> (i32, i32, i32) {
    %c0_i32 = arith.constant 0 : i32
    %c0_i32_0 = arith.constant 0 : i32
    %c0_i32_1 = arith.constant 0 : i32
    return %c0_i32, %arg0, %c0_i32_0 : i32, i32, i32
  }
  func.func @transform_1(%arg0: i32) -> (i32, i32, i32) {
    %c1_i32 = arith.constant 1 : i32
    %c0_i32 = arith.constant 0 : i32
    %c0_i32_0 = arith.constant 0 : i32
    return %c1_i32, %arg0, %c0_i32 : i32, i32, i32
  }
  func.func @transform_2(%arg0: i32) -> (i32, i32, i32) {
    %c0_i32 = arith.constant 0 : i32
    %c0_i32_0 = arith.constant 0 : i32
    %c0_i32_1 = arith.constant 0 : i32
    return %c0_i32, %arg0, %c0_i32_0 : i32, i32, i32
  }
  func.func @transform_3(%arg0: i32) -> (i32, i32) {
    %c0_i32 = arith.constant 0 : i32
    %c0_i32_0 = arith.constant 0 : i32
    %c0_i32_1 = arith.constant 0 : i32
    return %c0_i32, %c0_i32_0 : i32, i32
  }
  func.func @transform_4(%arg0: i32) -> (i32, i32) {
    %c0_i32 = arith.constant 0 : i32
    %c0_i32_0 = arith.constant 0 : i32
    %c0_i32_1 = arith.constant 0 : i32
    return %c0_i32, %c0_i32_0 : i32, i32
  }
  func.func @transform_5(%arg0: i32) -> (i32, i32) {
    %c0_i32 = arith.constant 0 : i32
    %c0_i32_0 = arith.constant 0 : i32
    %c0_i32_1 = arith.constant 0 : i32
    return %c0_i32, %c0_i32_0 : i32, i32
  }
  func.func @transform_6(%arg0: i32) -> (i32, i32) {
    %c0_i32 = arith.constant 0 : i32
    %c0_i32_0 = arith.constant 0 : i32
    return %arg0, %c0_i32 : i32, i32
  }
}

</mosaic_0001>

<sc_bundles>
// kernel: kernel.11.cloned.1.call-start
scs
__scs_entry_jumppad:
0x0: {  	(pc) =	sbr.rel $0x88, $3  }
0x1: {  	(tag) =	ssettag $0x0;
	lr =	simm.s32 $0x1  }
0x2: {  	[smem:$0x3F99] =	sst lr;
	_ =	strace $0xD0000000  }
0x3: {  	_ = 	snop  }
0x4: {  	_ = 	snop  }
0x5: {  	_ = 	snop  }
0x6: {  	_ = 	snop  }
0x7: {  	_ = 	snop  }
__scs_overlays_trampoline_lowered:
0x8: {  	[smem:$0x3FA8] =	sst s0  }
0x9: {  	[smem:$0x3FA9] =	sst s1  }
0xa: {  	[smem:$0x3FAA] =	sst s2  }
0xb: {  	[smem:$0x3FAB] =	sst s3  }
0xc: {  	[smem:$0x3FAC] =	sst s4  }
0xd: {  	[smem:$0x3FAD] =	sst s5  }
0xe: {  	[smem:$0x3FAE] =	sst s6  }
0xf: {  	[smem:$0x3FAF] =	sst s7  }
0x10: {  	[smem:$0x3FB0] =	sst s8  }
0x11: {  	[smem:$0x3FB1] =	sst s9;
	s0 =	simm.s32 @!p0 $0x0  }
0x12: {  	s1 =	sld [smem:$0x3F97];
	s0 =	simm.s32 @p0 $0x1  }
0x13: {  	[smem:$0x3FB2] =	sst s0;
	s0 =	simm.s32 @!p1 $0x0  }
0x14: {  	s2 =	sld [smem:$0x3F96];
	s0 =	simm.s32 @p1 $0x1  }
0x15: {  	[smem:$0x3FB3] =	sst s0;
	s0 =	simm.s32 @!p2 $0x0  }
0x16: {  	s3 =	sld [smem:$0x3FDB];
	s0 =	simm.s32 @p2 $0x1  }
0x17: {  	s4 =	simm.s32 $0x1BF5;
	[smem:$0x3FB5] =	sst s0  }
0x18: {  	s0 =	sld [smem:$0x3F98];
	_ =	swait.ge [sflag:s4], $0x0  }
0x19: {  	s7 =	sld [smem:$0x3F99]  }
0x1a: {  	s8 =	sadd.s32 $0xFFFFE003, lr  }
0x1b: {  	s9 =	sadd.s32 $0xFFFFFEF7, lr;
	s5 =	simm.s32 $0xFFFFFFFF;
	p2 =	slt.u32 s8, $0xFFFFF086  }
0x1c: {  	p1 =	slt.u32 s9, $0xF7A;
	s5 =	simm.s32 @!p2 $0x0  }
0x1d: {  	s5 =	simm.s32 @p1 $0x1;
	p0 =	seq.s32 s7, s2  }
0x1e: {  	s7 =	smul.u32 @!p0 $0xF7A, s2;
	p2 =	seq.s32 @!p0 s5, $0x0  }
0x1f: {  	s9 =	smul.u32 $0xF7A, s1;
	s8 =	simm.s32 @!p0 $0x1BF5;
	p2 =	por !p2, p0  }
0x20: {  	[sflag:s8] =	ssyncset.s32 @!p0 $0xFFFFF086;
	s6 =	sadd.s32 @!p0 s3, s7;
	s7 =	simm.s32 @!p0 $0x108  }
0x21: {  	s3 =	sadd.s32 s3, s9;
	s6 =	sadd.s32 @!p0 $0x88, s6;
	s7 =	simm.s32 @p2 $0x1082  }
0x22: {  	[simem:s7], [sflag:s8] =	dma.local @!p0 [hbm:s6], $0xF7A  }
0x23: {  	s9 =	sor.u32 $0xD0000000, s2;
	s6 =	simm.s32 $0x108;
	_ =	swait.ge @!p0 [sflag:s8], $0x0  }
0x24: {  	s3 =	sadd.s32 $0x88, s3;
	s6 =	simm.s32 @!p1 $0x1082;
	[sflag:s4] =	ssyncset.s32 $0xFFFFF086  }
0x25: {  	[simem:s6], [sflag:s4] =	dma.local [hbm:s3], $0xF7A  }
0x26: {  	[smem:$0x3F99] =	sst s1;
	(tag) =	ssettag s2;
	_ =	strace s9  }
0x27: {  	s1 =	sld [smem:$0x3FA9]  }
0x28: {  	s2 =	sld [smem:$0x3FAA]  }
0x29: {  	s4 =	sld [smem:$0x3FAC]  }
0x2a: {  	p0 =	seq.s32 s5, $0x0;
	s5 =	sld [smem:$0x3FAD]  }
0x2b: {  	s6 =	sld [smem:$0x3FAE]  }
0x2c: {  	s7 =	sld [smem:$0x3FAF]  }
0x2d: {  	s3 =	simm.s32 $0x108;
	s8 =	sld [smem:$0x3FB0]  }
0x2e: {  	s3 =	simm.s32 @!p0 $0x1082;
	s9 =	sld [smem:$0x3FB1]  }
0x2f: {  	lr =	sadd.s32 s0, s3;
	s0 =	sld [smem:$0x3FA8]  }
0x30: {  	s3 =	sld [smem:$0x3FAB]  }
0x31: {  	[smem:$0x3FB4] =	sst s10  }
0x32: {  	s10 =	sld [smem:$0x3FB2];
	_ =	sdelay $0x3  }
0x33: {  	p0 =	seq.s32 s10, $0x1;
	s10 =	sld [smem:$0x3FB4];
	_ =	sdelay $0x3  }
0x34: {  	[smem:$0x3FB4] =	sst s10  }
0x35: {  	s10 =	sld [smem:$0x3FB3];
	_ =	sdelay $0x3  }
0x36: {  	p1 =	seq.s32 s10, $0x1;
	s10 =	sld [smem:$0x3FB4];
	_ =	sdelay $0x3  }
0x37: {  	[smem:$0x3FB4] =	sst s10  }
0x38: {  	s10 =	sld [smem:$0x3FB5]  }
0x39: {  	_ = 	snop;
	(pc) =	sbr.ind lr, $3  }
0x3a: {  	_ = 	snop  }
0x3b: {  	_ = 	snop  }
0x3c: {  	p2 =	seq.s32 s10, $0x1;
	s10 =	sld [smem:$0x3FB4]  }
0x3d: {  	_ =	shalt  }
0x3e: {  	_ =	shalt  }
0x3f: {  	_ =	shalt  }
0x40: {  	_ =	shalt  }
0x41: {  	_ =	shalt  }
0x42: {  	_ =	shalt  }
0x43: {  	_ =	shalt  }
0x44: {  	_ =	shalt  }
0x45: {  	_ =	shalt  }
0x46: {  	_ =	shalt  }
0x47: {  	_ =	shalt  }
0x48: {  	_ =	shalt  }
0x49: {  	_ =	shalt  }
0x4a: {  	_ =	shalt  }
0x4b: {  	_ =	shalt  }
0x4c: {  	_ =	shalt  }
0x4d: {  	_ =	shalt  }
0x4e: {  	_ =	shalt  }
0x4f: {  	_ =	shalt  }
0x50: {  	_ =	shalt  }
0x51: {  	_ =	shalt  }
0x52: {  	_ =	shalt  }
0x53: {  	_ =	shalt  }
0x54: {  	_ =	shalt  }
0x55: {  	_ =	shalt  }
0x56: {  	_ =	shalt  }
0x57: {  	_ =	shalt  }
0x58: {  	_ =	shalt  }
0x59: {  	_ =	shalt  }
0x5a: {  	_ =	shalt  }
0x5b: {  	_ =	shalt  }
0x5c: {  	_ =	shalt  }
0x5d: {  	_ =	shalt  }
0x5e: {  	_ =	shalt  }
0x5f: {  	_ =	shalt  }
0x60: {  	_ =	shalt  }
0x61: {  	_ =	shalt  }
0x62: {  	_ =	shalt  }
0x63: {  	_ =	shalt  }
0x64: {  	_ =	shalt  }
0x65: {  	_ =	shalt  }
0x66: {  	_ =	shalt  }
0x67: {  	_ =	shalt  }
0x68: {  	_ =	shalt  }
0x69: {  	_ =	shalt  }
0x6a: {  	_ =	shalt  }
0x6b: {  	_ =	shalt  }
0x6c: {  	_ =	shalt  }
0x6d: {  	_ =	shalt  }
0x6e: {  	_ =	shalt  }
0x6f: {  	_ =	shalt  }
0x70: {  	_ =	shalt  }
0x71: {  	_ =	shalt  }
0x72: {  	_ =	shalt  }
0x73: {  	_ =	shalt  }
0x74: {  	_ =	shalt  }
0x75: {  	_ =	shalt  }
0x76: {  	_ =	shalt  }
0x77: {  	_ =	shalt  }
0x78: {  	_ =	shalt  }
0x79: {  	_ =	shalt  }
0x7a: {  	_ =	shalt  }
0x7b: {  	_ =	shalt  }
0x7c: {  	_ =	shalt  }
0x7d: {  	_ =	shalt  }
0x7e: {  	_ =	shalt  }
0x7f: {  	_ =	shalt  }
0x80: {  	_ =	shalt  }
0x81: {  	_ =	shalt  }
0x82: {  	_ =	shalt  }
0x83: {  	_ =	shalt  }
0x84: {  	_ =	shalt  }
0x85: {  	_ =	shalt  }
0x86: {  	_ =	shalt  }
0x87: {  	_ =	shalt  }
.Lfunc_end0:
.L_simem_size_0:
called_computation.1_lowered:
.L_overlay_start_0:
0x88: {  	s2 =	sld [smem:$0x3FD9]  }
0x89: {  	s3 =	sld [smem:$0x3FFE];
	_ =	sdelay $0x1  }
0x8a: {  	s1 =	srdreg.scid  }
0x8b: {  	s0 =	sand.u32 $0x1, s1  }
0x8c: {  	s14 =	sshll.u32 s0, $0xA;
	s2 =	sadd.s32 s3, s2  }
0x8d: {  	s2 =	sadd.s32 s2, s14  }
0x8e: {  	[smem:$0x3FC0] =	sst s2  }
0x8f: {  	_ = 	snop  }
0x90: {  	s2 =	sld [smem:$0x3FD0];
	_ =	sdelay $0x2  }
0x91: {  	s15 =	simm.s32 $0xA;
	s4 =	simm.s32 $0x10  }
0x92: {  	[smem:s4], [sflag:s15] =	dma.local [hbm:s2], $0x1  }
0x93: {  	_ =	swait.eq [sflag:s15], $0x1  }
0x94: {  	[sflag:s15] =	ssyncset.done $0x0  }
0x95: {  	[sflag:s15] =	ssyncadd.s32 $0xFFFFFFFF  }
0x96: {  	s16 =	sld [smem:$0x11];
	(tm) =	ssettm $0x1  }
0x97: {  	s17 =	sld [smem:$0x3FFB];
	_ =	sdelay $0x3  }
0x98: {  	_ =	strace s17  }
0x99: {  	s3 =	sld [smem:$0x3FFC];
	_ =	sdelay $0x3  }
0x9a: {  	_ =	strace s3  }
0x9b: {  	s3 =	sld [smem:$0x3FFD];
	_ =	sdelay $0x3  }
0x9c: {  	_ =	strace s3  }
0x9d: {  	_ =	strace $0x8FFFFFFF  }
0x9e: {  	s18 =	sld [smem:$0x3FDB];
	_ =	sdelay $0x1  }
0x9f: {  	s19 =	simm.s32 $_scs_section_size  }
0xa0: {  	s5 =	simm.s32 $_size__tile_overlayer_lowered;
	s6 =	simm.s32 $_tile_overlayer_lowered  }
0xa1: {  	s22 =	simm.s32 $0x1BFF;
	s21 =	sshll.u32 s6, $0x1;
	s3 =	sadd.s32 s19, s18  }
0xa2: {  	s7 =	simm.s32 $0x0;
	s20 =	sshll.u32 s5, $0x1;
	s5 =	sadd.s32 s21, s3  }
0xa3: {  	[timem:s7], [sflag:s22] =	dma.local [hbm:s5], s20  }
0xa4: {  	_ =	swait.ge [sflag:s22], s20  }
0xa5: {  	s4 =	ssub.s32 $0x0, s20;
	[sflag:s22] =	ssyncset.done $0x0  }
0xa6: {  	[sflag:s22] =	ssyncadd.s32 s4;
	_ =	sdelay $0x1  }
0xa7: {  	s23 =	simm.s32 $0x1B8B  }
0xa8: {  	_ =	swait.ge [sflag:s23], $0x1  }
0xa9: {  	[sflag:s23] =	ssyncset.done $0x0  }
0xaa: {  	s25 =	simm.s32 $0x1B8E;
	s24 =	sld [smem:$0x3FFE];
	[sflag:s23] =	ssyncadd.s32 $0xFFFFFFFF  }
0xab: {  	s26 =	simm.s32 $execute0_lowered;
	[smem:$0x3FD2] =	sst s25  }
0xac: {  	s5 =	sshll.u32 s26, $0x1;
	_ =	strace $0x80000049;
	[dreg:$0x1] =	wrdreg $0xFFFFFFFF  }
0xad: {  	s28 =	simm.s32 $_size_execute0_lowered;
	s3 =	sadd.s32 s3, s5;
	[dreg:$0x0] =	wrdreg $0x0  }
0xae: {  	s5 =	sshll.u32 s28, $0x1;
	[dreg:$0x2] =	wrdreg s3  }
0xaf: {  	[dreg:$0x3] =	wrdreg s5  }
0xb0: {  	[dreg:$0x4] =	wrdreg $0xC0  }
0xb1: {  	_ =	task [dreg:s7], $0x5FFFF  }
0xb2: {  	[dreg:$0x1] =	wrdreg $0xFFFFFFFF  }
0xb3: {  	[dreg:$0x0] =	wrdreg $0x60  }
0xb4: {  	[dreg:$0x2] =	wrdreg s24  }
0xb5: {  	[dreg:$0x3] =	wrdreg s16  }
0xb6: {  	[dreg:$0x4] =	wrdreg $0x0  }
0xb7: {  	[dreg:$0x5] =	wrdreg $0x9  }
0xb8: {  	_ =	task.clear_ibuf [dreg:s7], $0x6FFFF;
	_ =	strace $0x90000049  }
0xb9: {  	s29 =	simm.s32 $0x9;
	_ =	strace $0x8000004B  }
0xba: {  	_ =	swait.ge [sflag:s29], $0x1  }
0xbb: {  	[sflag:s29] =	ssyncadd.s32 $0xFFFFFFFF  }
0xbc: {  	_ =	strace $0x9000004B  }
0xbd: {  	_ =	sfence  }
0xbe: {  	s30 =	sld [smem:$0x0];
	_ =	sdelay $0x2  }
0xbf: {  	s31 =	sshll.u32 s1, $0xD;
	s1 =	sshrl.u32 s1, $0x2  }
0xc0: {  	s3 =	sand.u32 $0x4000, s31;
	s1 =	sadd.s32 s1, s30  }
0xc1: {  	s0 =	sor.u32 s3, s0;
	s1 =	sshll.u32 s1, $0x11  }
0xc2: {  	s0 =	sor.u32 s1, s0  }
0xc3: {  	s0 =	sadd.s32 $0x8F2B, s0  }
0xc4: {  	[sflag:s0] =	ssyncadd.remote.s32 $0x1  }
0xc5: {  	_ =	sfence.sel $0xFFFF  }
0xc6: {  	[dreg:$0x0] =	wrdreg $0xFFFFFFFF;
	(pc) =	sbr.abs _section_cstart, $3  }
0xc7: {  	[dreg:$0x1] =	wrdreg $0xFFFFFFFF  }
0xc8: {  	_ =	task.clear_ibuf [dreg:s7], $0x2FFFF;
	_ =	strace $0x9FFFFFFF  }
0xc9: {  	(tm) =	ssettm $0x7FFFFFFF  }
tec
execute0_lowered:
.L_overlay_start_1:
0x0: {  	(tag) =	ssettag $0x1  }
0x1: {  	s5 =	rddreg [dreg:$0x0]  }
0x2: {  	s8 =	rddreg [dreg:$0x1]  }
0x3: {  	s0 =	stileid.u32;
	s1 =	srdreg.scid  }
0x4: {  	s2 =	rddreg [dreg:$0x2];
	s9 =	smul.u32 $0x500, s0  }
0x5: {  	s3 =	simm.s32 $0x0;
	s14 =	simm.s32 $0x16800;
	s10 =	smul.u32 $0x14000, s0  }
0x6: {  	s16 =	simm.s32 $0x19000;
	s17 =	simm.s32 $0x0;
	s24 =	smul.u32 $0x280, s0  }
0x7: {  	s6 =	sand.u32 $0x1, s1;
	s1 =	rddreg [dreg:$0x3];
	s12 =	smul.u32 $0x50000, s0  }
0x8: {  	[smem:$0x7FF] =	sst s3;
	s4 =	sadd.s32 $0x58200, s5;
	s7 =	smul.u32 $0x140000, s6  }
0x9: {  	s31 =	sshll.u32 s0, $0x6;
	s15 =	smul.u32 $0x2800, s6;
	s6 =	ssub.s32 $0x2, s6  }
0xa: {  	_ =	strace $0x8000004A;
	s11 =	sadd.s32 s9, s5;
	s25 =	sshrl.u32 s6, $0x1  }
0xb: {  	s29 =	sshrl.u32 s12, $0x2;
	s8 =	sadd.s32 s8, s9;
	s7 =	sadd.s32 s10, s7  }
0xc: {  	s26 =	sadd.s32 s24, s15;
	s28 =	ssub.s32 s6, s25;
	s12 =	sadd.s32 s29, s2  }
0xd: {  	s6 =	sor.u32 $0x1C01, s31;
	v0 =	vmov s15;
	s15 =	simm.s32 $0x80;
	s7 =	sshrl.u32 s7, $0x3  }
0xe: {  	s30 =	sshll.u32 s26, $0x4;
	s10 =	smax.u32 s28, $0x1;
	s13 =	sadd.s32 s7, s5  }
0xf: {  	s5 =	sadd.s32 s4, s30;
	s7 =	sadd.s32 $0x53200, s11;
	s11 =	sshrl.u32 s12, $0x3  }
0x10: {  	s12 =	simm.s32 $0x1;
	s9 =	sadd.s32 $0xA8200, s13;
	s13 =	simm.s32 $0x14000  }
.LBB2_1:
0x11: {  	[spmem:s11], [sflag:s6] =	dma.local [hbm:s5], $0x2800  }
0x12: {  	_ =	swait.ge [sflag:s12], $0x2800  }
0x13: {  	[sflag:s12] =	ssyncset.done $0x0  }
0x14: {  	[sflag:s12] =	ssyncadd.s32 $0xFFFFD800  }
0x15: {  	[tilespmem:s13], [sflag:$0x1] =	stream.linear.gather [hbm4b:s7+s3], $0x2800, $0x38;
	[tilespmem:$0x1D000] =	vst v63  }
0x16: {  	_ =	swait.ge [sflag:s12], $0x2800  }
0x17: {  	[sflag:s12] =	ssyncset.done $0x0  }
0x18: {  	[sflag:s12] =	ssyncadd.s32 $0xFFFFD800  }
0x19: {  	[tilespmem:s14], [sflag:$0x1] =	stream.linear.gather [hbm4b:s8+s3], $0x2800, $0x38;
	[tilespmem:$0x1D000] =	vst v63  }
0x1a: {  	s18 =	sand.u32 $0xFE00, s3;
	_ =	swait.ge [sflag:s12], $0x2800  }
0x1b: {  	s19 =	sand.u32 $0x70, s3;
	s18 =	sshrl.u32 s18, $0x2;
	[sflag:s12] =	ssyncset.done $0x0  }
0x1c: {  	s18 =	sor.u32 s19, s18;
	[sflag:s12] =	ssyncadd.s32 $0xFFFFD800  }
0x1d: {  	v1 =	vld [tilespmem:s18+$0x14000];
	_ =	sdelay $0x2  }
0x1e: {  	s20 =	simm.s32 $0x40  }
0x1f: {  	s21 =	sand.u32 $0xFE00, s20;
	s20 =	simm.s32 $0x80;
	s19 =	simm.s32 $0x10  }
.LBB2_2:
0x20: {  	p0 =	sne.s32 s20, $0x9FC0;
	s22 =	sand.u32 $0x70, s19;
	s21 =	sshrl.u32 s21, $0x2;
	v1 =	vadd.s32 v0, v1  }
0x21: {  	[tilespmem:s18+$0x14000] =	vst v1;
	s18 =	sor.u32 s22, s21  }
.Ltmp0:
0x22: {  	v1 =	vld [tilespmem:s18+$0x14000];
	(pc) =	sbr.rel @p0 .LBB2_2-.Ltmp0, $2  }
0x23: {  	_ =	sdelay $0x2  }
0x24: {  	s19 =	sadd.s32 $0x10, s19;
	s21 =	sand.u32 $0xFE00, s20;
	s20 =	sadd.s32 $0x40, s20  }
0x25: {  	s19 =	sand.u32 $0x70, s19;
	s20 =	sshrl.u32 s21, $0x2;
	v1 =	vadd.s32 v0, v1  }
0x26: {  	s19 =	sor.u32 s19, s20;
	[tilespmem:s18+$0x14000] =	vst v1  }
0x27: {  	v1 =	vld [tilespmem:s19+$0x14000];
	_ =	sdelay $0x4  }
0x28: {  	v1 =	vadd.s32 v0, v1  }
0x29: {  	[tilespmem:s19+$0x14000] =	vst v1  }
0x2a: {  	s30 =	simm.s32 $0x14000;
	[bflag:$0x0] =	sbarrier.arrive $0xFFFF  }
0x2b: {  	[tilespmem:s16], [sflag:$0x1] =	stream.indirect.gather [hbm4b:s4+s15], $0x80, s30, s15, $0xb8;
	[tilespmem:$0x1D000] =	vst v63  }
0x2c: {  	_ =	swait.ge [sflag:s12], $0x4000  }
0x2d: {  	[sflag:s12] =	ssyncset.done $0x0  }
0x2e: {  	s31 =	simm.s32 $0x16800;
	[sflag:s12] =	ssyncadd.s32 $0xFFFFC000  }
0x2f: {  	[spmem:s2] =	stream.indirect.scatter.add.f32 [tilespmem:s16], [sflag:$0x1], $0x80, s31, s15, $0xb8;
	[tilespmem:$0x1D000] =	vst v63  }
0x30: {  	_ =	swait.ge [sflag:s12], $0x4000  }
0x31: {  	s18 =	simm.s32 $0x80;
	s19 =	simm.s32 $0x400;
	[sflag:s12] =	ssyncset.done $0x0  }
.LBB2_4:
0x32: {  	s20 =	sadd.s32 $0x14000, s18  }
0x33: {  	[sflag:s12] =	ssyncadd.s32 $0xFFFFC000;
	s21 =	smov.u32 s19;
	s22 =	sadd.s32 $0x200, s19  }
0x34: {  	[tilespmem:s16], [sflag:$0x1] =	stream.indirect.gather [hbm4b:s4+s15], $0x80, s20, s15, $0xb8;
	[tilespmem:$0x1D000] =	vst v63  }
0x35: {  	p0 =	sne.s32 s19, $0x9E00;
	_ =	swait.ge [sflag:s12], $0x4000  }
.Ltmp1:
0x36: {  	[sflag:s12] =	ssyncset.done $0x0;
	(pc) =	sbr.rel @p0 .LBB2_4-.Ltmp1, $4  }
0x37: {  	s18 =	sadd.s32 $0x16800, s18;
	[sflag:s12] =	ssyncadd.s32 $0xFFFFC000  }
0x38: {  	[spmem:s2] =	stream.indirect.scatter.add.f32 [tilespmem:s16], [sflag:$0x1], $0x80, s18, s15, $0xb8;
	[tilespmem:$0x1D000] =	vst v63  }
0x39: {  	_ =	swait.ge [sflag:s12], $0x4000  }
0x3a: {  	s19 =	smov.u32 s22;
	s18 =	sshra.s32 s21, $0x2;
	[sflag:s12] =	ssyncset.done $0x0  }
0x3b: {  	s19 =	sadd.s32 $0x14000, s18;
	[sflag:s12] =	ssyncadd.s32 $0xFFFFC000  }
0x3c: {  	[tilespmem:s16], [sflag:$0x1] =	stream.indirect.gather [hbm4b:s4+s15], $0x80, s19, s15, $0xb8;
	[tilespmem:$0x1D000] =	vst v63  }
0x3d: {  	_ =	swait.ge [sflag:s12], $0x4000  }
0x3e: {  	[sflag:s12] =	ssyncset.done $0x0  }
0x3f: {  	s31 =	sadd.s32 $0x16800, s18;
	[sflag:s12] =	ssyncadd.s32 $0xFFFFC000  }
0x40: {  	[spmem:s2] =	stream.indirect.scatter.add.f32 [tilespmem:s16], [sflag:$0x1], $0x80, s31, s15, $0xb8;
	[tilespmem:$0x1D000] =	vst v63  }
0x41: {  	_ =	swait.ge [sflag:s12], $0x4000  }
0x42: {  	s17 =	sadd.s32 $0x1, s17;
	[sflag:s12] =	ssyncset.done $0x0  }
0x43: {  	p0 =	sne.s32 s17, s10;
	[sflag:s12] =	ssyncadd.s32 $0xFFFFC000  }
.Ltmp2:
0x44: {  	[bflag:$0x0] =	sbarrier.arrive $0xFFFF;
	(pc) =	sbr.rel @p0 .LBB2_1-.Ltmp2, $4  }
0x45: {  	[hbm:s9], [sflag:s6] =	dma.local [spmem:s11], $0x2800  }
0x46: {  	_ =	swait.ge [sflag:s12], $0x2800  }
0x47: {  	[sflag:s12] =	ssyncset.done $0x0  }
0x48: {  	[sflag:s12] =	ssyncadd.s32 $0xFFFFD800  }
0x49: {  	_ =	sfence.sel $0x180000  }
0x4a: {  	[bflag:$0x0] =	sbarrier.arrive $0xFFFF  }
0x4b: {  	p0 =	sne.s32 s0, $0x0;
	_ =	strace $0x9000004A  }
0x4c: {  	s0 =	sadd.s32 @!p0 $0x100000, s1;
	[bflag:$0x2] =	sbarrier.arrive $0xFFFF  }
0x4d: {  	[sflag:s0] =	ssyncadd.tile.s32 @!p0 $0x1;
	_ =	shalt  }
.Lfunc_end2:
_tile_overlayer_lowered:
.L_overlay_start_2:
0x4e: {  	(tag) =	ssettag $0x2  }
0x4f: {  	s0 =	rddreg [dreg:$0x0];
	s2 =	stileid.u32  }
0x50: {  	s1 =	rddreg [dreg:$0x1];
	p0 =	sne.s32 s2, $0x0  }
0x51: {  	s3 =	rddreg [dreg:$0x2];
	[bflag:$0x3] =	sbarrier.arrive $0xFFFF;
	s2 =	simm.s32 @!p0 $0x1C01  }
0x52: {  	[timem:s3], [sflag:s2] =	dma.local @!p0 [hbm:s0], s1  }
0x53: {  	s0 =	simm.s32 @!p0 $0x1  }
0x54: {  	_ =	swait.ge @!p0 [sflag:s0], s1  }
0x55: {  	s1 =	ssub.s32 @!p0 $0x0, s1;
	[sflag:s0] =	ssyncset.done @!p0 $0x0  }
0x56: {  	[sflag:s0] =	ssyncadd.s32 @!p0 s1  }
0x57: {  	[bflag:$0x3] =	sbarrier.arrive $0xFFFF  }
0x58: {  	_ =	shalt  }

// kernel: kernel.14.cloned.1.call-start
scs
__scs_entry_jumppad:
0x0: {  	(pc) =	sbr.rel $0x88, $3  }
0x1: {  	(tag) =	ssettag $0x0;
	lr =	simm.s32 $0x1  }
0x2: {  	[smem:$0x3F99] =	sst lr;
	_ =	strace $0xD0000000  }
0x3: {  	_ = 	snop  }
0x4: {  	_ = 	snop  }
0x5: {  	_ = 	snop  }
0x6: {  	_ = 	snop  }
0x7: {  	_ = 	snop  }
__scs_overlays_trampoline_lowered:
0x8: {  	[smem:$0x3FA8] =	sst s0  }
0x9: {  	[smem:$0x3FA9] =	sst s1  }
0xa: {  	[smem:$0x3FAA] =	sst s2  }
0xb: {  	[smem:$0x3FAB] =	sst s3  }
0xc: {  	[smem:$0x3FAC] =	sst s4  }
0xd: {  	[smem:$0x3FAD] =	sst s5  }
0xe: {  	[smem:$0x3FAE] =	sst s6  }
0xf: {  	[smem:$0x3FAF] =	sst s7  }
0x10: {  	[smem:$0x3FB0] =	sst s8  }
0x11: {  	[smem:$0x3FB1] =	sst s9;
	s0 =	simm.s32 @!p0 $0x0  }
0x12: {  	s1 =	sld [smem:$0x3F97];
	s0 =	simm.s32 @p0 $0x1  }
0x13: {  	[smem:$0x3FB2] =	sst s0;
	s0 =	simm.s32 @!p1 $0x0  }
0x14: {  	s2 =	sld [smem:$0x3F96];
	s0 =	simm.s32 @p1 $0x1  }
0x15: {  	[smem:$0x3FB3] =	sst s0;
	s0 =	simm.s32 @!p2 $0x0  }
0x16: {  	s3 =	sld [smem:$0x3FDB];
	s0 =	simm.s32 @p2 $0x1  }
0x17: {  	s4 =	simm.s32 $0x1BF5;
	[smem:$0x3FB5] =	sst s0  }
0x18: {  	s0 =	sld [smem:$0x3F98];
	_ =	swait.ge [sflag:s4], $0x0  }
0x19: {  	s7 =	sld [smem:$0x3F99]  }
0x1a: {  	s8 =	sadd.s32 $0xFFFFE003, lr  }
0x1b: {  	s9 =	sadd.s32 $0xFFFFFEF7, lr;
	s5 =	simm.s32 $0xFFFFFFFF;
	p2 =	slt.u32 s8, $0xFFFFF086  }
0x1c: {  	p1 =	slt.u32 s9, $0xF7A;
	s5 =	simm.s32 @!p2 $0x0  }
0x1d: {  	s5 =	simm.s32 @p1 $0x1;
	p0 =	seq.s32 s7, s2  }
0x1e: {  	s7 =	smul.u32 @!p0 $0xF7A, s2;
	p2 =	seq.s32 @!p0 s5, $0x0  }
0x1f: {  	s9 =	smul.u32 $0xF7A, s1;
	s8 =	simm.s32 @!p0 $0x1BF5;
	p2 =	por !p2, p0  }
0x20: {  	[sflag:s8] =	ssyncset.s32 @!p0 $0xFFFFF086;
	s6 =	sadd.s32 @!p0 s3, s7;
	s7 =	simm.s32 @!p0 $0x108  }
0x21: {  	s3 =	sadd.s32 s3, s9;
	s6 =	sadd.s32 @!p0 $0x88, s6;
	s7 =	simm.s32 @p2 $0x1082  }
0x22: {  	[simem:s7], [sflag:s8] =	dma.local @!p0 [hbm:s6], $0xF7A  }
0x23: {  	s9 =	sor.u32 $0xD0000000, s2;
	s6 =	simm.s32 $0x108;
	_ =	swait.ge @!p0 [sflag:s8], $0x0  }
0x24: {  	s3 =	sadd.s32 $0x88, s3;
	s6 =	simm.s32 @!p1 $0x1082;
	[sflag:s4] =	ssyncset.s32 $0xFFFFF086  }
0x25: {  	[simem:s6], [sflag:s4] =	dma.local [hbm:s3], $0xF7A  }
0x26: {  	[smem:$0x3F99] =	sst s1;
	(tag) =	ssettag s2;
	_ =	strace s9  }
0x27: {  	s1 =	sld [smem:$0x3FA9]  }
0x28: {  	s2 =	sld [smem:$0x3FAA]  }
0x29: {  	s4 =	sld [smem:$0x3FAC]  }
0x2a: {  	p0 =	seq.s32 s5, $0x0;
	s5 =	sld [smem:$0x3FAD]  }
0x2b: {  	s6 =	sld [smem:$0x3FAE]  }
0x2c: {  	s7 =	sld [smem:$0x3FAF]  }
0x2d: {  	s3 =	simm.s32 $0x108;
	s8 =	sld [smem:$0x3FB0]  }
0x2e: {  	s3 =	simm.s32 @!p0 $0x1082;
	s9 =	sld [smem:$0x3FB1]  }
0x2f: {  	lr =	sadd.s32 s0, s3;
	s0 =	sld [smem:$0x3FA8]  }
0x30: {  	s3 =	sld [smem:$0x3FAB]  }
0x31: {  	[smem:$0x3FB4] =	sst s10  }
0x32: {  	s10 =	sld [smem:$0x3FB2];
	_ =	sdelay $0x3  }
0x33: {  	p0 =	seq.s32 s10, $0x1;
	s10 =	sld [smem:$0x3FB4];
	_ =	sdelay $0x3  }
0x34: {  	[smem:$0x3FB4] =	sst s10  }
0x35: {  	s10 =	sld [smem:$0x3FB3];
	_ =	sdelay $0x3  }
0x36: {  	p1 =	seq.s32 s10, $0x1;
	s10 =	sld [smem:$0x3FB4];
	_ =	sdelay $0x3  }
0x37: {  	[smem:$0x3FB4] =	sst s10  }
0x38: {  	s10 =	sld [smem:$0x3FB5]  }
0x39: {  	_ = 	snop;
	(pc) =	sbr.ind lr, $3  }
0x3a: {  	_ = 	snop  }
0x3b: {  	_ = 	snop  }
0x3c: {  	p2 =	seq.s32 s10, $0x1;
	s10 =	sld [smem:$0x3FB4]  }
0x3d: {  	_ =	shalt  }
0x3e: {  	_ =	shalt  }
0x3f: {  	_ =	shalt  }
0x40: {  	_ =	shalt  }
0x41: {  	_ =	shalt  }
0x42: {  	_ =	shalt  }
0x43: {  	_ =	shalt  }
0x44: {  	_ =	shalt  }
0x45: {  	_ =	shalt  }
0x46: {  	_ =	shalt  }
0x47: {  	_ =	shalt  }
0x48: {  	_ =	shalt  }
0x49: {  	_ =	shalt  }
0x4a: {  	_ =	shalt  }
0x4b: {  	_ =	shalt  }
0x4c: {  	_ =	shalt  }
0x4d: {  	_ =	shalt  }
0x4e: {  	_ =	shalt  }
0x4f: {  	_ =	shalt  }
0x50: {  	_ =	shalt  }
0x51: {  	_ =	shalt  }
0x52: {  	_ =	shalt  }
0x53: {  	_ =	shalt  }
0x54: {  	_ =	shalt  }
0x55: {  	_ =	shalt  }
0x56: {  	_ =	shalt  }
0x57: {  	_ =	shalt  }
0x58: {  	_ =	shalt  }
0x59: {  	_ =	shalt  }
0x5a: {  	_ =	shalt  }
0x5b: {  	_ =	shalt  }
0x5c: {  	_ =	shalt  }
0x5d: {  	_ =	shalt  }
0x5e: {  	_ =	shalt  }
0x5f: {  	_ =	shalt  }
0x60: {  	_ =	shalt  }
0x61: {  	_ =	shalt  }
0x62: {  	_ =	shalt  }
0x63: {  	_ =	shalt  }
0x64: {  	_ =	shalt  }
0x65: {  	_ =	shalt  }
0x66: {  	_ =	shalt  }
0x67: {  	_ =	shalt  }
0x68: {  	_ =	shalt  }
0x69: {  	_ =	shalt  }
0x6a: {  	_ =	shalt  }
0x6b: {  	_ =	shalt  }
0x6c: {  	_ =	shalt  }
0x6d: {  	_ =	shalt  }
0x6e: {  	_ =	shalt  }
0x6f: {  	_ =	shalt  }
0x70: {  	_ =	shalt  }
0x71: {  	_ =	shalt  }
0x72: {  	_ =	shalt  }
0x73: {  	_ =	shalt  }
0x74: {  	_ =	shalt  }
0x75: {  	_ =	shalt  }
0x76: {  	_ =	shalt  }
0x77: {  	_ =	shalt  }
0x78: {  	_ =	shalt  }
0x79: {  	_ =	shalt  }
0x7a: {  	_ =	shalt  }
0x7b: {  	_ =	shalt  }
0x7c: {  	_ =	shalt  }
0x7d: {  	_ =	shalt  }
0x7e: {  	_ =	shalt  }
0x7f: {  	_ =	shalt  }
0x80: {  	_ =	shalt  }
0x81: {  	_ =	shalt  }
0x82: {  	_ =	shalt  }
0x83: {  	_ =	shalt  }
0x84: {  	_ =	shalt  }
0x85: {  	_ =	shalt  }
0x86: {  	_ =	shalt  }
0x87: {  	_ =	shalt  }
.Lfunc_end0:
.L_simem_size_0:
called_computation.2_lowered:
.L_overlay_start_0:
0x88: {  	s2 =	sld [smem:$0x3FD9]  }
0x89: {  	s3 =	sld [smem:$0x3FFE];
	_ =	sdelay $0x1  }
0x8a: {  	s1 =	srdreg.scid  }
0x8b: {  	s0 =	sand.u32 $0x1, s1  }
0x8c: {  	s14 =	sshll.u32 s0, $0xA;
	s2 =	sadd.s32 s3, s2  }
0x8d: {  	s2 =	sadd.s32 s2, s14  }
0x8e: {  	[smem:$0x3FC0] =	sst s2  }
0x8f: {  	_ = 	snop  }
0x90: {  	s2 =	sld [smem:$0x3FD0];
	_ =	sdelay $0x2  }
0x91: {  	s15 =	simm.s32 $0xA;
	s4 =	simm.s32 $0x10  }
0x92: {  	[smem:s4], [sflag:s15] =	dma.local [hbm:s2], $0x1  }
0x93: {  	_ =	swait.eq [sflag:s15], $0x1  }
0x94: {  	[sflag:s15] =	ssyncset.done $0x0  }
0x95: {  	[sflag:s15] =	ssyncadd.s32 $0xFFFFFFFF  }
0x96: {  	s16 =	sld [smem:$0x11];
	(tm) =	ssettm $0x1  }
0x97: {  	s17 =	sld [smem:$0x3FFB];
	_ =	sdelay $0x3  }
0x98: {  	_ =	strace s17  }
0x99: {  	s3 =	sld [smem:$0x3FFC];
	_ =	sdelay $0x3  }
0x9a: {  	_ =	strace s3  }
0x9b: {  	s3 =	sld [smem:$0x3FFD];
	_ =	sdelay $0x3  }
0x9c: {  	_ =	strace s3  }
0x9d: {  	_ =	strace $0x8FFFFFFF  }
0x9e: {  	s18 =	sld [smem:$0x3FDB];
	_ =	sdelay $0x1  }
0x9f: {  	s19 =	simm.s32 $_scs_section_size  }
0xa0: {  	s5 =	simm.s32 $_size__tile_overlayer_lowered;
	s6 =	simm.s32 $_tile_overlayer_lowered  }
0xa1: {  	s22 =	simm.s32 $0x1BFF;
	s21 =	sshll.u32 s6, $0x1;
	s3 =	sadd.s32 s19, s18  }
0xa2: {  	s7 =	simm.s32 $0x0;
	s20 =	sshll.u32 s5, $0x1;
	s5 =	sadd.s32 s21, s3  }
0xa3: {  	[timem:s7], [sflag:s22] =	dma.local [hbm:s5], s20  }
0xa4: {  	_ =	swait.ge [sflag:s22], s20  }
0xa5: {  	s4 =	ssub.s32 $0x0, s20;
	[sflag:s22] =	ssyncset.done $0x0  }
0xa6: {  	[sflag:s22] =	ssyncadd.s32 s4;
	_ =	sdelay $0x1  }
0xa7: {  	s23 =	simm.s32 $0x1B8B  }
0xa8: {  	_ =	swait.ge [sflag:s23], $0x1  }
0xa9: {  	[sflag:s23] =	ssyncset.done $0x0  }
0xaa: {  	s25 =	simm.s32 $0x1B8E;
	s24 =	sld [smem:$0x3FFE];
	[sflag:s23] =	ssyncadd.s32 $0xFFFFFFFF  }
0xab: {  	s26 =	simm.s32 $execute0_lowered;
	[smem:$0x3FD2] =	sst s25  }
0xac: {  	s5 =	sshll.u32 s26, $0x1;
	_ =	strace $0x8000004C;
	[dreg:$0x1] =	wrdreg $0xFFFFFFFF  }
0xad: {  	s28 =	simm.s32 $_size_execute0_lowered;
	s3 =	sadd.s32 s3, s5;
	[dreg:$0x0] =	wrdreg $0x0  }
0xae: {  	s5 =	sshll.u32 s28, $0x1;
	[dreg:$0x2] =	wrdreg s3  }
0xaf: {  	[dreg:$0x3] =	wrdreg s5  }
0xb0: {  	[dreg:$0x4] =	wrdreg $0xC0  }
0xb1: {  	_ =	task [dreg:s7], $0x5FFFF  }
0xb2: {  	[dreg:$0x1] =	wrdreg $0xFFFFFFFF  }
0xb3: {  	[dreg:$0x0] =	wrdreg $0x60  }
0xb4: {  	[dreg:$0x2] =	wrdreg s24  }
0xb5: {  	[dreg:$0x3] =	wrdreg s16  }
0xb6: {  	[dreg:$0x4] =	wrdreg $0x0  }
0xb7: {  	[dreg:$0x5] =	wrdreg $0x9  }
0xb8: {  	_ =	task.clear_ibuf [dreg:s7], $0x6FFFF;
	_ =	strace $0x9000004C  }
0xb9: {  	s29 =	simm.s32 $0x9;
	_ =	strace $0x8000004E  }
0xba: {  	_ =	swait.ge [sflag:s29], $0x1  }
0xbb: {  	[sflag:s29] =	ssyncadd.s32 $0xFFFFFFFF  }
0xbc: {  	_ =	strace $0x9000004E  }
0xbd: {  	_ =	sfence  }
0xbe: {  	s30 =	sld [smem:$0x0];
	_ =	sdelay $0x2  }
0xbf: {  	s31 =	sshll.u32 s1, $0xD;
	s1 =	sshrl.u32 s1, $0x2  }
0xc0: {  	s3 =	sand.u32 $0x4000, s31;
	s1 =	sadd.s32 s1, s30  }
0xc1: {  	s0 =	sor.u32 s3, s0;
	s1 =	sshll.u32 s1, $0x11  }
0xc2: {  	s0 =	sor.u32 s1, s0  }
0xc3: {  	s0 =	sadd.s32 $0x8F2B, s0  }
0xc4: {  	[sflag:s0] =	ssyncadd.remote.s32 $0x1  }
0xc5: {  	_ =	sfence.sel $0xFFFF  }
0xc6: {  	[dreg:$0x0] =	wrdreg $0xFFFFFFFF;
	(pc) =	sbr.abs _section_cstart, $3  }
0xc7: {  	[dreg:$0x1] =	wrdreg $0xFFFFFFFF  }
0xc8: {  	_ =	task.clear_ibuf [dreg:s7], $0x2FFFF;
	_ =	strace $0x9FFFFFFF  }
0xc9: {  	(tm) =	ssettm $0x7FFFFFFF  }
tec
execute0_lowered:
.L_overlay_start_1:
0x0: {  	(tag) =	ssettag $0x1  }
0x1: {  	s5 =	rddreg [dreg:$0x0]  }
0x2: {  	s8 =	rddreg [dreg:$0x1]  }
0x3: {  	s0 =	stileid.u32;
	s1 =	srdreg.scid  }
0x4: {  	s2 =	rddreg [dreg:$0x2];
	s9 =	smul.u32 $0x500, s0  }
0x5: {  	s3 =	simm.s32 $0x0;
	s14 =	simm.s32 $0x16800;
	s10 =	smul.u32 $0x14000, s0  }
0x6: {  	s16 =	simm.s32 $0x19000;
	s17 =	simm.s32 $0x0;
	s24 =	smul.u32 $0x280, s0  }
0x7: {  	s6 =	sand.u32 $0x1, s1;
	s1 =	rddreg [dreg:$0x3];
	s12 =	smul.u32 $0x50000, s0  }
0x8: {  	[smem:$0x7FF] =	sst s3;
	s4 =	sadd.s32 $0x58200, s5;
	s7 =	smul.u32 $0x140000, s6  }
0x9: {  	s31 =	sshll.u32 s0, $0x6;
	s15 =	smul.u32 $0x2800, s6;
	s6 =	ssub.s32 $0x2, s6  }
0xa: {  	_ =	strace $0x8000004D;
	s11 =	sadd.s32 s9, s5;
	s25 =	sshrl.u32 s6, $0x1  }
0xb: {  	s29 =	sshrl.u32 s12, $0x2;
	s8 =	sadd.s32 s8, s9;
	s7 =	sadd.s32 s10, s7  }
0xc: {  	s26 =	sadd.s32 s24, s15;
	s28 =	ssub.s32 s6, s25;
	s12 =	sadd.s32 s29, s2  }
0xd: {  	s6 =	sor.u32 $0x1C01, s31;
	v0 =	vmov s15;
	s15 =	simm.s32 $0x80;
	s7 =	sshrl.u32 s7, $0x3  }
0xe: {  	s30 =	sshll.u32 s26, $0x4;
	s10 =	smax.u32 s28, $0x1;
	s13 =	sadd.s32 s7, s5  }
0xf: {  	s5 =	sadd.s32 s4, s30;
	s7 =	sadd.s32 $0x53200, s11;
	s11 =	sshrl.u32 s12, $0x3  }
0x10: {  	s12 =	simm.s32 $0x1;
	s9 =	sadd.s32 $0xA8200, s13;
	s13 =	simm.s32 $0x14000  }
.LBB2_1:
0x11: {  	[spmem:s11], [sflag:s6] =	dma.local [hbm:s5], $0x2800  }
0x12: {  	_ =	swait.ge [sflag:s12], $0x2800  }
0x13: {  	[sflag:s12] =	ssyncset.done $0x0  }
0x14: {  	[sflag:s12] =	ssyncadd.s32 $0xFFFFD800  }
0x15: {  	[tilespmem:s13], [sflag:$0x1] =	stream.linear.gather [hbm4b:s7+s3], $0x2800, $0x38;
	[tilespmem:$0x1D000] =	vst v63  }
0x16: {  	_ =	swait.ge [sflag:s12], $0x2800  }
0x17: {  	[sflag:s12] =	ssyncset.done $0x0  }
0x18: {  	[sflag:s12] =	ssyncadd.s32 $0xFFFFD800  }
0x19: {  	[tilespmem:s14], [sflag:$0x1] =	stream.linear.gather [hbm4b:s8+s3], $0x2800, $0x38;
	[tilespmem:$0x1D000] =	vst v63  }
0x1a: {  	s18 =	sand.u32 $0xFE00, s3;
	_ =	swait.ge [sflag:s12], $0x2800  }
0x1b: {  	s19 =	sand.u32 $0x70, s3;
	s18 =	sshrl.u32 s18, $0x2;
	[sflag:s12] =	ssyncset.done $0x0  }
0x1c: {  	s18 =	sor.u32 s19, s18;
	[sflag:s12] =	ssyncadd.s32 $0xFFFFD800  }
0x1d: {  	v1 =	vld [tilespmem:s18+$0x14000];
	_ =	sdelay $0x2  }
0x1e: {  	s20 =	simm.s32 $0x40  }
0x1f: {  	s21 =	sand.u32 $0xFE00, s20;
	s20 =	simm.s32 $0x80;
	s19 =	simm.s32 $0x10  }
.LBB2_2:
0x20: {  	p0 =	sne.s32 s20, $0x9FC0;
	s22 =	sand.u32 $0x70, s19;
	s21 =	sshrl.u32 s21, $0x2;
	v1 =	vadd.s32 v0, v1  }
0x21: {  	[tilespmem:s18+$0x14000] =	vst v1;
	s18 =	sor.u32 s22, s21  }
.Ltmp0:
0x22: {  	v1 =	vld [tilespmem:s18+$0x14000];
	(pc) =	sbr.rel @p0 .LBB2_2-.Ltmp0, $2  }
0x23: {  	_ =	sdelay $0x2  }
0x24: {  	s19 =	sadd.s32 $0x10, s19;
	s21 =	sand.u32 $0xFE00, s20;
	s20 =	sadd.s32 $0x40, s20  }
0x25: {  	s19 =	sand.u32 $0x70, s19;
	s20 =	sshrl.u32 s21, $0x2;
	v1 =	vadd.s32 v0, v1  }
0x26: {  	s19 =	sor.u32 s19, s20;
	[tilespmem:s18+$0x14000] =	vst v1  }
0x27: {  	v1 =	vld [tilespmem:s19+$0x14000];
	_ =	sdelay $0x4  }
0x28: {  	v1 =	vadd.s32 v0, v1  }
0x29: {  	[tilespmem:s19+$0x14000] =	vst v1  }
0x2a: {  	s30 =	simm.s32 $0x14000;
	[bflag:$0x0] =	sbarrier.arrive $0xFFFF  }
0x2b: {  	[tilespmem:s16], [sflag:$0x1] =	stream.indirect.gather [hbm4b:s4+s15], $0x80, s30, s15, $0xb8;
	[tilespmem:$0x1D000] =	vst v63  }
0x2c: {  	_ =	swait.ge [sflag:s12], $0x4000  }
0x2d: {  	[sflag:s12] =	ssyncset.done $0x0  }
0x2e: {  	s31 =	simm.s32 $0x16800;
	[sflag:s12] =	ssyncadd.s32 $0xFFFFC000  }
0x2f: {  	[spmem:s2] =	stream.indirect.scatter.add.f32 [tilespmem:s16], [sflag:$0x1], $0x80, s31, s15, $0xb8;
	[tilespmem:$0x1D000] =	vst v63  }
0x30: {  	_ =	swait.ge [sflag:s12], $0x4000  }
0x31: {  	s18 =	simm.s32 $0x80;
	s19 =	simm.s32 $0x400;
	[sflag:s12] =	ssyncset.done $0x0  }
.LBB2_4:
0x32: {  	s20 =	sadd.s32 $0x14000, s18  }
0x33: {  	[sflag:s12] =	ssyncadd.s32 $0xFFFFC000;
	s21 =	smov.u32 s19;
	s22 =	sadd.s32 $0x200, s19  }
0x34: {  	[tilespmem:s16], [sflag:$0x1] =	stream.indirect.gather [hbm4b:s4+s15], $0x80, s20, s15, $0xb8;
	[tilespmem:$0x1D000] =	vst v63  }
0x35: {  	p0 =	sne.s32 s19, $0x9E00;
	_ =	swait.ge [sflag:s12], $0x4000  }
.Ltmp1:
0x36: {  	[sflag:s12] =	ssyncset.done $0x0;
	(pc) =	sbr.rel @p0 .LBB2_4-.Ltmp1, $4  }
0x37: {  	s18 =	sadd.s32 $0x16800, s18;
	[sflag:s12] =	ssyncadd.s32 $0xFFFFC000  }
0x38: {  	[spmem:s2] =	stream.indirect.scatter.add.f32 [tilespmem:s16], [sflag:$0x1], $0x80, s18, s15, $0xb8;
	[tilespmem:$0x1D000] =	vst v63  }
0x39: {  	_ =	swait.ge [sflag:s12], $0x4000  }
0x3a: {  	s19 =	smov.u32 s22;
	s18 =	sshra.s32 s21, $0x2;
	[sflag:s12] =	ssyncset.done $0x0  }
0x3b: {  	s19 =	sadd.s32 $0x14000, s18;
	[sflag:s12] =	ssyncadd.s32 $0xFFFFC000  }
0x3c: {  	[tilespmem:s16], [sflag:$0x1] =	stream.indirect.gather [hbm4b:s4+s15], $0x80, s19, s15, $0xb8;
	[tilespmem:$0x1D000] =	vst v63  }
0x3d: {  	_ =	swait.ge [sflag:s12], $0x4000  }
0x3e: {  	[sflag:s12] =	ssyncset.done $0x0  }
0x3f: {  	s31 =	sadd.s32 $0x16800, s18;
	[sflag:s12] =	ssyncadd.s32 $0xFFFFC000  }
0x40: {  	[spmem:s2] =	stream.indirect.scatter.add.f32 [tilespmem:s16], [sflag:$0x1], $0x80, s31, s15, $0xb8;
	[tilespmem:$0x1D000] =	vst v63  }
0x41: {  	_ =	swait.ge [sflag:s12], $0x4000  }
0x42: {  	s17 =	sadd.s32 $0x1, s17;
	[sflag:s12] =	ssyncset.done $0x0  }
0x43: {  	p0 =	sne.s32 s17, s10;
	[sflag:s12] =	ssyncadd.s32 $0xFFFFC000  }
.Ltmp2:
0x44: {  	[bflag:$0x0] =	sbarrier.arrive $0xFFFF;
	(pc) =	sbr.rel @p0 .LBB2_1-.Ltmp2, $4  }
0x45: {  	[hbm:s9], [sflag:s6] =	dma.local [spmem:s11], $0x2800  }
0x46: {  	_ =	swait.ge [sflag:s12], $0x2800  }
0x47: {  	[sflag:s12] =	ssyncset.done $0x0  }
0x48: {  	[sflag:s12] =	ssyncadd.s32 $0xFFFFD800  }
0x49: {  	_ =	sfence.sel $0x180000  }
0x4a: {  	[bflag:$0x0] =	sbarrier.arrive $0xFFFF  }
0x4b: {  	p0 =	sne.s32 s0, $0x0;
	_ =	strace $0x9000004D  }
0x4c: {  	s0 =	sadd.s32 @!p0 $0x100000, s1;
	[bflag:$0x2] =	sbarrier.arrive $0xFFFF  }
0x4d: {  	[sflag:s0] =	ssyncadd.tile.s32 @!p0 $0x1;
	_ =	shalt  }
.Lfunc_end2:
_tile_overlayer_lowered:
.L_overlay_start_2:
0x4e: {  	(tag) =	ssettag $0x2  }
0x4f: {  	s0 =	rddreg [dreg:$0x0];
	s2 =	stileid.u32  }
0x50: {  	s1 =	rddreg [dreg:$0x1];
	p0 =	sne.s32 s2, $0x0  }
0x51: {  	s3 =	rddreg [dreg:$0x2];
	[bflag:$0x3] =	sbarrier.arrive $0xFFFF;
	s2 =	simm.s32 @!p0 $0x1C01  }
0x52: {  	[timem:s3], [sflag:s2] =	dma.local @!p0 [hbm:s0], s1  }
0x53: {  	s0 =	simm.s32 @!p0 $0x1  }
0x54: {  	_ =	swait.ge @!p0 [sflag:s0], s1  }
0x55: {  	s1 =	ssub.s32 @!p0 $0x0, s1;
	[sflag:s0] =	ssyncset.done @!p0 $0x0  }
0x56: {  	[sflag:s0] =	ssyncadd.s32 @!p0 s1  }
0x57: {  	[bflag:$0x3] =	sbarrier.arrive $0xFFFF  }
0x58: {  	_ =	shalt  }

// kernel: kernel.8.cloned.1.call-start
scs
__scs_entry_jumppad:
0x0: {  	(pc) =	sbr.rel $0x88, $3  }
0x1: {  	(tag) =	ssettag $0x0;
	lr =	simm.s32 $0x1  }
0x2: {  	[smem:$0x3F99] =	sst lr;
	_ =	strace $0xD0000000  }
0x3: {  	_ = 	snop  }
0x4: {  	_ = 	snop  }
0x5: {  	_ = 	snop  }
0x6: {  	_ = 	snop  }
0x7: {  	_ = 	snop  }
__scs_overlays_trampoline_lowered:
0x8: {  	[smem:$0x3FA8] =	sst s0  }
0x9: {  	[smem:$0x3FA9] =	sst s1  }
0xa: {  	[smem:$0x3FAA] =	sst s2  }
0xb: {  	[smem:$0x3FAB] =	sst s3  }
0xc: {  	[smem:$0x3FAC] =	sst s4  }
0xd: {  	[smem:$0x3FAD] =	sst s5  }
0xe: {  	[smem:$0x3FAE] =	sst s6  }
0xf: {  	[smem:$0x3FAF] =	sst s7  }
0x10: {  	[smem:$0x3FB0] =	sst s8  }
0x11: {  	[smem:$0x3FB1] =	sst s9;
	s0 =	simm.s32 @!p0 $0x0  }
0x12: {  	s1 =	sld [smem:$0x3F97];
	s0 =	simm.s32 @p0 $0x1  }
0x13: {  	[smem:$0x3FB2] =	sst s0;
	s0 =	simm.s32 @!p1 $0x0  }
0x14: {  	s2 =	sld [smem:$0x3F96];
	s0 =	simm.s32 @p1 $0x1  }
0x15: {  	[smem:$0x3FB3] =	sst s0;
	s0 =	simm.s32 @!p2 $0x0  }
0x16: {  	s3 =	sld [smem:$0x3FDB];
	s0 =	simm.s32 @p2 $0x1  }
0x17: {  	s4 =	simm.s32 $0x1BF5;
	[smem:$0x3FB5] =	sst s0  }
0x18: {  	s0 =	sld [smem:$0x3F98];
	_ =	swait.ge [sflag:s4], $0x0  }
0x19: {  	s7 =	sld [smem:$0x3F99]  }
0x1a: {  	s8 =	sadd.s32 $0xFFFFE003, lr  }
0x1b: {  	s9 =	sadd.s32 $0xFFFFFEF7, lr;
	s5 =	simm.s32 $0xFFFFFFFF;
	p2 =	slt.u32 s8, $0xFFFFF086  }
0x1c: {  	p1 =	slt.u32 s9, $0xF7A;
	s5 =	simm.s32 @!p2 $0x0  }
0x1d: {  	s5 =	simm.s32 @p1 $0x1;
	p0 =	seq.s32 s7, s2  }
0x1e: {  	s7 =	smul.u32 @!p0 $0xF7A, s2;
	p2 =	seq.s32 @!p0 s5, $0x0  }
0x1f: {  	s9 =	smul.u32 $0xF7A, s1;
	s8 =	simm.s32 @!p0 $0x1BF5;
	p2 =	por !p2, p0  }
0x20: {  	[sflag:s8] =	ssyncset.s32 @!p0 $0xFFFFF086;
	s6 =	sadd.s32 @!p0 s3, s7;
	s7 =	simm.s32 @!p0 $0x108  }
0x21: {  	s3 =	sadd.s32 s3, s9;
	s6 =	sadd.s32 @!p0 $0x88, s6;
	s7 =	simm.s32 @p2 $0x1082  }
0x22: {  	[simem:s7], [sflag:s8] =	dma.local @!p0 [hbm:s6], $0xF7A  }
0x23: {  	s9 =	sor.u32 $0xD0000000, s2;
	s6 =	simm.s32 $0x108;
	_ =	swait.ge @!p0 [sflag:s8], $0x0  }
0x24: {  	s3 =	sadd.s32 $0x88, s3;
	s6 =	simm.s32 @!p1 $0x1082;
	[sflag:s4] =	ssyncset.s32 $0xFFFFF086  }
0x25: {  	[simem:s6], [sflag:s4] =	dma.local [hbm:s3], $0xF7A  }
0x26: {  	[smem:$0x3F99] =	sst s1;
	(tag) =	ssettag s2;
	_ =	strace s9  }
0x27: {  	s1 =	sld [smem:$0x3FA9]  }
0x28: {  	s2 =	sld [smem:$0x3FAA]  }
0x29: {  	s4 =	sld [smem:$0x3FAC]  }
0x2a: {  	p0 =	seq.s32 s5, $0x0;
	s5 =	sld [smem:$0x3FAD]  }
0x2b: {  	s6 =	sld [smem:$0x3FAE]  }
0x2c: {  	s7 =	sld [smem:$0x3FAF]  }
0x2d: {  	s3 =	simm.s32 $0x108;
	s8 =	sld [smem:$0x3FB0]  }
0x2e: {  	s3 =	simm.s32 @!p0 $0x1082;
	s9 =	sld [smem:$0x3FB1]  }
0x2f: {  	lr =	sadd.s32 s0, s3;
	s0 =	sld [smem:$0x3FA8]  }
0x30: {  	s3 =	sld [smem:$0x3FAB]  }
0x31: {  	[smem:$0x3FB4] =	sst s10  }
0x32: {  	s10 =	sld [smem:$0x3FB2];
	_ =	sdelay $0x3  }
0x33: {  	p0 =	seq.s32 s10, $0x1;
	s10 =	sld [smem:$0x3FB4];
	_ =	sdelay $0x3  }
0x34: {  	[smem:$0x3FB4] =	sst s10  }
0x35: {  	s10 =	sld [smem:$0x3FB3];
	_ =	sdelay $0x3  }
0x36: {  	p1 =	seq.s32 s10, $0x1;
	s10 =	sld [smem:$0x3FB4];
	_ =	sdelay $0x3  }
0x37: {  	[smem:$0x3FB4] =	sst s10  }
0x38: {  	s10 =	sld [smem:$0x3FB5]  }
0x39: {  	_ = 	snop;
	(pc) =	sbr.ind lr, $3  }
0x3a: {  	_ = 	snop  }
0x3b: {  	_ = 	snop  }
0x3c: {  	p2 =	seq.s32 s10, $0x1;
	s10 =	sld [smem:$0x3FB4]  }
0x3d: {  	_ =	shalt  }
0x3e: {  	_ =	shalt  }
0x3f: {  	_ =	shalt  }
0x40: {  	_ =	shalt  }
0x41: {  	_ =	shalt  }
0x42: {  	_ =	shalt  }
0x43: {  	_ =	shalt  }
0x44: {  	_ =	shalt  }
0x45: {  	_ =	shalt  }
0x46: {  	_ =	shalt  }
0x47: {  	_ =	shalt  }
0x48: {  	_ =	shalt  }
0x49: {  	_ =	shalt  }
0x4a: {  	_ =	shalt  }
0x4b: {  	_ =	shalt  }
0x4c: {  	_ =	shalt  }
0x4d: {  	_ =	shalt  }
0x4e: {  	_ =	shalt  }
0x4f: {  	_ =	shalt  }
0x50: {  	_ =	shalt  }
0x51: {  	_ =	shalt  }
0x52: {  	_ =	shalt  }
0x53: {  	_ =	shalt  }
0x54: {  	_ =	shalt  }
0x55: {  	_ =	shalt  }
0x56: {  	_ =	shalt  }
0x57: {  	_ =	shalt  }
0x58: {  	_ =	shalt  }
0x59: {  	_ =	shalt  }
0x5a: {  	_ =	shalt  }
0x5b: {  	_ =	shalt  }
0x5c: {  	_ =	shalt  }
0x5d: {  	_ =	shalt  }
0x5e: {  	_ =	shalt  }
0x5f: {  	_ =	shalt  }
0x60: {  	_ =	shalt  }
0x61: {  	_ =	shalt  }
0x62: {  	_ =	shalt  }
0x63: {  	_ =	shalt  }
0x64: {  	_ =	shalt  }
0x65: {  	_ =	shalt  }
0x66: {  	_ =	shalt  }
0x67: {  	_ =	shalt  }
0x68: {  	_ =	shalt  }
0x69: {  	_ =	shalt  }
0x6a: {  	_ =	shalt  }
0x6b: {  	_ =	shalt  }
0x6c: {  	_ =	shalt  }
0x6d: {  	_ =	shalt  }
0x6e: {  	_ =	shalt  }
0x6f: {  	_ =	shalt  }
0x70: {  	_ =	shalt  }
0x71: {  	_ =	shalt  }
0x72: {  	_ =	shalt  }
0x73: {  	_ =	shalt  }
0x74: {  	_ =	shalt  }
0x75: {  	_ =	shalt  }
0x76: {  	_ =	shalt  }
0x77: {  	_ =	shalt  }
0x78: {  	_ =	shalt  }
0x79: {  	_ =	shalt  }
0x7a: {  	_ =	shalt  }
0x7b: {  	_ =	shalt  }
0x7c: {  	_ =	shalt  }
0x7d: {  	_ =	shalt  }
0x7e: {  	_ =	shalt  }
0x7f: {  	_ =	shalt  }
0x80: {  	_ =	shalt  }
0x81: {  	_ =	shalt  }
0x82: {  	_ =	shalt  }
0x83: {  	_ =	shalt  }
0x84: {  	_ =	shalt  }
0x85: {  	_ =	shalt  }
0x86: {  	_ =	shalt  }
0x87: {  	_ =	shalt  }
.Lfunc_end0:
.L_simem_size_0:
called_computation_lowered:
.L_overlay_start_0:
0x88: {  	s2 =	sld [smem:$0x3FD9]  }
0x89: {  	s3 =	sld [smem:$0x3FFE];
	_ =	sdelay $0x1  }
0x8a: {  	s1 =	srdreg.scid  }
0x8b: {  	s0 =	sand.u32 $0x1, s1  }
0x8c: {  	s14 =	sshll.u32 s0, $0xA;
	s2 =	sadd.s32 s3, s2  }
0x8d: {  	s2 =	sadd.s32 s2, s14  }
0x8e: {  	[smem:$0x3FC0] =	sst s2  }
0x8f: {  	_ = 	snop  }
0x90: {  	s2 =	sld [smem:$0x3FD0];
	_ =	sdelay $0x2  }
0x91: {  	s15 =	simm.s32 $0xA;
	s4 =	simm.s32 $0x10  }
0x92: {  	[smem:s4], [sflag:s15] =	dma.local [hbm:s2], $0x1  }
0x93: {  	_ =	swait.eq [sflag:s15], $0x1  }
0x94: {  	[sflag:s15] =	ssyncset.done $0x0  }
0x95: {  	[sflag:s15] =	ssyncadd.s32 $0xFFFFFFFF  }
0x96: {  	s16 =	sld [smem:$0x11];
	(tm) =	ssettm $0x1  }
0x97: {  	s17 =	sld [smem:$0x3FFB];
	_ =	sdelay $0x3  }
0x98: {  	_ =	strace s17  }
0x99: {  	s3 =	sld [smem:$0x3FFC];
	_ =	sdelay $0x3  }
0x9a: {  	_ =	strace s3  }
0x9b: {  	s3 =	sld [smem:$0x3FFD];
	_ =	sdelay $0x3  }
0x9c: {  	_ =	strace s3  }
0x9d: {  	_ =	strace $0x8FFFFFFF  }
0x9e: {  	s18 =	sld [smem:$0x3FDB];
	_ =	sdelay $0x1  }
0x9f: {  	s19 =	simm.s32 $_scs_section_size  }
0xa0: {  	s5 =	simm.s32 $_size__tile_overlayer_lowered;
	s6 =	simm.s32 $_tile_overlayer_lowered  }
0xa1: {  	s22 =	simm.s32 $0x1BFF;
	s21 =	sshll.u32 s6, $0x1;
	s3 =	sadd.s32 s19, s18  }
0xa2: {  	s7 =	simm.s32 $0x0;
	s20 =	sshll.u32 s5, $0x1;
	s5 =	sadd.s32 s21, s3  }
0xa3: {  	[timem:s7], [sflag:s22] =	dma.local [hbm:s5], s20  }
0xa4: {  	_ =	swait.ge [sflag:s22], s20  }
0xa5: {  	s4 =	ssub.s32 $0x0, s20;
	[sflag:s22] =	ssyncset.done $0x0  }
0xa6: {  	[sflag:s22] =	ssyncadd.s32 s4;
	_ =	sdelay $0x1  }
0xa7: {  	s23 =	simm.s32 $0x1B8B  }
0xa8: {  	_ =	swait.ge [sflag:s23], $0x1  }
0xa9: {  	[sflag:s23] =	ssyncset.done $0x0  }
0xaa: {  	s25 =	simm.s32 $0x1B8E;
	s24 =	sld [smem:$0x3FFE];
	[sflag:s23] =	ssyncadd.s32 $0xFFFFFFFF  }
0xab: {  	s26 =	simm.s32 $execute0_lowered;
	[smem:$0x3FD2] =	sst s25  }
0xac: {  	s5 =	sshll.u32 s26, $0x1;
	_ =	strace $0x80000046;
	[dreg:$0x1] =	wrdreg $0xFFFFFFFF  }
0xad: {  	s28 =	simm.s32 $_size_execute0_lowered;
	s3 =	sadd.s32 s3, s5;
	[dreg:$0x0] =	wrdreg $0x0  }
0xae: {  	s5 =	sshll.u32 s28, $0x1;
	[dreg:$0x2] =	wrdreg s3  }
0xaf: {  	[dreg:$0x3] =	wrdreg s5  }
0xb0: {  	[dreg:$0x4] =	wrdreg $0xC0  }
0xb1: {  	_ =	task [dreg:s7], $0x5FFFF  }
0xb2: {  	[dreg:$0x1] =	wrdreg $0xFFFFFFFF  }
0xb3: {  	[dreg:$0x0] =	wrdreg $0x60  }
0xb4: {  	[dreg:$0x2] =	wrdreg s16  }
0xb5: {  	[dreg:$0x3] =	wrdreg s24  }
0xb6: {  	[dreg:$0x4] =	wrdreg $0x0  }
0xb7: {  	[dreg:$0x5] =	wrdreg $0x9  }
0xb8: {  	_ =	task.clear_ibuf [dreg:s7], $0x6FFFF;
	_ =	strace $0x90000046  }
0xb9: {  	s29 =	simm.s32 $0x9;
	_ =	strace $0x80000048  }
0xba: {  	_ =	swait.ge [sflag:s29], $0x1  }
0xbb: {  	[sflag:s29] =	ssyncadd.s32 $0xFFFFFFFF  }
0xbc: {  	_ =	strace $0x90000048  }
0xbd: {  	_ =	sfence  }
0xbe: {  	s30 =	sld [smem:$0x0];
	_ =	sdelay $0x2  }
0xbf: {  	s31 =	sshll.u32 s1, $0xD;
	s1 =	sshrl.u32 s1, $0x2  }
0xc0: {  	s3 =	sand.u32 $0x4000, s31;
	s1 =	sadd.s32 s1, s30  }
0xc1: {  	s0 =	sor.u32 s3, s0;
	s1 =	sshll.u32 s1, $0x11  }
0xc2: {  	s0 =	sor.u32 s1, s0  }
0xc3: {  	s0 =	sadd.s32 $0x8F2B, s0  }
0xc4: {  	[sflag:s0] =	ssyncadd.remote.s32 $0x1  }
0xc5: {  	_ =	sfence.sel $0xFFFF  }
0xc6: {  	[dreg:$0x0] =	wrdreg $0xFFFFFFFF;
	(pc) =	sbr.abs _section_cstart, $3  }
0xc7: {  	[dreg:$0x1] =	wrdreg $0xFFFFFFFF  }
0xc8: {  	_ =	task.clear_ibuf [dreg:s7], $0x2FFFF;
	_ =	strace $0x9FFFFFFF  }
0xc9: {  	(tm) =	ssettm $0x7FFFFFFF  }
tec
execute0_lowered:
.L_overlay_start_1:
0x0: {  	(tag) =	ssettag $0x1  }
0x1: {  	s6 =	rddreg [dreg:$0x0]  }
0x2: {  	s4 =	rddreg [dreg:$0x1]  }
0x3: {  	s2 =	rddreg [dreg:$0x2]  }
0x4: {  	s0 =	rddreg [dreg:$0x3];
	s5 =	srdreg.scid  }
0x5: {  	s3 =	simm.s32 $0x0;
	s1 =	stileid.u32;
	s20 =	simm.s32 $0x1A800  }
0x6: {  	s21 =	simm.s32 $0x1;
	s22 =	simm.s32 $0x14000;
	s23 =	simm.s32 $0x80  }
0x7: {  	s24 =	simm.s32 $0x16800;
	s25 =	simm.s32 $0x1C800;
	s26 =	simm.s32 $0x0  }
0x8: {  	s13 =	sand.u32 $0x1, s5;
	[smem:$0x7FF] =	sst s3;
	s7 =	smul.u32 $0x50000, s1  }
0x9: {  	s9 =	smul.u32 $0x500, s1;
	s4 =	sadd.s32 $0x3200, s4;
	s5 =	ssub.s32 $0x2, s13  }
0xa: {  	_ =	strace $0x80000047;
	s18 =	smul.u32 $0x5000, s13;
	s8 =	sshrl.u32 s5, $0x1  }
0xb: {  	s31 =	sshrl.u32 s7, $0x2;
	s6 =	sadd.s32 s6, s9;
	s7 =	smul.u32 $0x280, s1  }
0xc: {  	s10 =	ssub.s32 s5, s8;
	s5 =	sadd.s32 s31, s2;
	s8 =	smul.u32 $0x140000, s13  }
0xd: {  	s19 =	sshrl.u32 s18, $0x2;
	s9 =	smax.u32 s10, $0x1;
	s10 =	sadd.s32 $0x2000, s5  }
0xe: {  	s11 =	sadd.s32 $0x4000, s5;
	s12 =	sadd.s32 $0x6000, s5;
	s13 =	sadd.s32 $0x8000, s5  }
0xf: {  	s14 =	sadd.s32 $0xA000, s5;
	s15 =	sadd.s32 $0xC000, s5;
	s16 =	sadd.s32 $0xE000, s5  }
0x10: {  	v0 =	vimm.f32 $0.0e+00;
	v1 =	vimm.f32 $1.000000000e+00;
	s17 =	sadd.s32 $0x10000, s5;
	s18 =	sadd.s32 $0x12000, s5;
	s19 =	sor.u32 $0x14000, s19  }
.LBB2_1:
0x11: {  	s28 =	simm.s32 $0x0;
	s29 =	simm.s32 $0x0  }
.LBB2_2:
0x12: {  	p0 =	sne.s32 s29, $0x7FC0  }
.Ltmp0:
0x13: {  	_ = 	snop;
	(pc) =	sbr.rel @p0 .LBB2_2-.Ltmp0, $4  }
0x14: {  	s30 =	sand.u32 $0x7E00, s29  }
0x15: {  	s31 =	sand.u32 $0x70, s28;
	s30 =	sshrl.u32 s30, $0x2  }
0x16: {  	s30 =	sor.u32 s31, s30  }
0x17: {  	s28 =	sadd.s32 $0x10, s28;
	s29 =	sadd.s32 $0x40, s29;
	[tilespmem:s30+$0x1A800] =	vst v0  }
0x18: {  	s28 =	simm.s32 $0x0  }
0x19: {  	s29 =	sand.u32 $0xFE00, s28  }
0x1a: {  	s30 =	sand.u32 $0x70, s28;
	s31 =	sshrl.u32 s29, $0x2  }
0x1b: {  	s29 =	simm.s32 $0x40;
	s30 =	sor.u32 s30, s31  }
.LBB2_4:
0x1c: {  	p0 =	sne.s32 s29, $0xFFC0  }
0x1d: {  	[tilespmem:s30+$0x16800] =	vst v1;
	s28 =	sadd.s32 $0x10, s28;
	s30 =	smov.u32 s29;
	s29 =	sadd.s32 $0x40, s29  }
.Ltmp1:
0x1e: {  	(pc) =	sbr.rel @p0 .LBB2_4-.Ltmp1, $4  }
0x1f: {  	_ = 	snop  }
0x20: {  	s30 =	sand.u32 $0xFE00, s30  }
0x21: {  	s31 =	sand.u32 $0x70, s28;
	s30 =	sshrl.u32 s30, $0x2  }
0x22: {  	s30 =	sor.u32 s31, s30  }
0x23: {  	[tilespmem:s30+$0x16800] =	vst v1  }
0x24: {  	[spmem:s5] =	stream.linear.scatter [tilespmem:s20], [sflag:$0x1], $0x2000, $0x38;
	[tilespmem:$0x1E800] =	vst v63  }
0x25: {  	_ =	swait.ge [sflag:s21], $0x2000  }
0x26: {  	[sflag:s21] =	ssyncset.done $0x0  }
0x27: {  	[sflag:s21] =	ssyncadd.s32 $0xFFFFE000  }
0x28: {  	[spmem:s10] =	stream.linear.scatter [tilespmem:s20], [sflag:$0x1], $0x2000, $0x38;
	[tilespmem:$0x1E800] =	vst v63  }
0x29: {  	_ =	swait.ge [sflag:s21], $0x2000  }
0x2a: {  	[sflag:s21] =	ssyncset.done $0x0  }
0x2b: {  	[sflag:s21] =	ssyncadd.s32 $0xFFFFE000  }
0x2c: {  	[spmem:s11] =	stream.linear.scatter [tilespmem:s20], [sflag:$0x1], $0x2000, $0x38;
	[tilespmem:$0x1E800] =	vst v63  }
0x2d: {  	_ =	swait.ge [sflag:s21], $0x2000  }
0x2e: {  	[sflag:s21] =	ssyncset.done $0x0  }
0x2f: {  	[sflag:s21] =	ssyncadd.s32 $0xFFFFE000  }
0x30: {  	[spmem:s12] =	stream.linear.scatter [tilespmem:s20], [sflag:$0x1], $0x2000, $0x38;
	[tilespmem:$0x1E800] =	vst v63  }
0x31: {  	_ =	swait.ge [sflag:s21], $0x2000  }
0x32: {  	[sflag:s21] =	ssyncset.done $0x0  }
0x33: {  	[sflag:s21] =	ssyncadd.s32 $0xFFFFE000  }
0x34: {  	[spmem:s13] =	stream.linear.scatter [tilespmem:s20], [sflag:$0x1], $0x2000, $0x38;
	[tilespmem:$0x1E800] =	vst v63  }
0x35: {  	_ =	swait.ge [sflag:s21], $0x2000  }
0x36: {  	[sflag:s21] =	ssyncset.done $0x0  }
0x37: {  	[sflag:s21] =	ssyncadd.s32 $0xFFFFE000  }
0x38: {  	[spmem:s14] =	stream.linear.scatter [tilespmem:s20], [sflag:$0x1], $0x2000, $0x38;
	[tilespmem:$0x1E800] =	vst v63  }
0x39: {  	_ =	swait.ge [sflag:s21], $0x2000  }
0x3a: {  	[sflag:s21] =	ssyncset.done $0x0  }
0x3b: {  	[sflag:s21] =	ssyncadd.s32 $0xFFFFE000  }
0x3c: {  	[spmem:s15] =	stream.linear.scatter [tilespmem:s20], [sflag:$0x1], $0x2000, $0x38;
	[tilespmem:$0x1E800] =	vst v63  }
0x3d: {  	_ =	swait.ge [sflag:s21], $0x2000  }
0x3e: {  	[sflag:s21] =	ssyncset.done $0x0  }
0x3f: {  	[sflag:s21] =	ssyncadd.s32 $0xFFFFE000  }
0x40: {  	[spmem:s16] =	stream.linear.scatter [tilespmem:s20], [sflag:$0x1], $0x2000, $0x38;
	[tilespmem:$0x1E800] =	vst v63  }
0x41: {  	_ =	swait.ge [sflag:s21], $0x2000  }
0x42: {  	[sflag:s21] =	ssyncset.done $0x0  }
0x43: {  	[sflag:s21] =	ssyncadd.s32 $0xFFFFE000  }
0x44: {  	[spmem:s17] =	stream.linear.scatter [tilespmem:s20], [sflag:$0x1], $0x2000, $0x38;
	[tilespmem:$0x1E800] =	vst v63  }
0x45: {  	_ =	swait.ge [sflag:s21], $0x2000  }
0x46: {  	[sflag:s21] =	ssyncset.done $0x0  }
0x47: {  	[sflag:s21] =	ssyncadd.s32 $0xFFFFE000  }
0x48: {  	[spmem:s18] =	stream.linear.scatter [tilespmem:s20], [sflag:$0x1], $0x2000, $0x38;
	[tilespmem:$0x1E800] =	vst v63  }
0x49: {  	_ =	swait.ge [sflag:s21], $0x2000  }
0x4a: {  	[sflag:s21] =	ssyncset.done $0x0  }
0x4b: {  	s28 =	simm.s32 $0x0;
	[sflag:s21] =	ssyncadd.s32 $0xFFFFE000  }
0x4c: {  	[tilespmem:s22], [sflag:$0x1] =	stream.linear.gather [hbm4b:s6+s28], $0x2800, $0x38;
	[tilespmem:$0x1E800] =	vst v63  }
0x4d: {  	_ =	swait.ge [sflag:s21], $0x2800  }
0x4e: {  	[sflag:s21] =	ssyncset.done $0x0  }
0x4f: {  	[sflag:s21] =	ssyncadd.s32 $0xFFFFD800  }
0x50: {  	s28 =	sadd.s32 $0x0, s19;
	[bflag:$0x0] =	sbarrier.arrive $0xFFFF  }
0x51: {  	[spmem:s2] =	stream.indirect.scatter.add.f32 [tilespmem:s24], [sflag:$0x1], $0x80, s28, s23, $0xb8;
	[tilespmem:$0x1E800] =	vst v63  }
0x52: {  	s28 =	simm.s32 $0x200;
	_ =	swait.ge [sflag:s21], $0x4000  }
.LBB2_6:
0x53: {  	s29 =	sshra.s32 s28, $0x2;
	[sflag:s21] =	ssyncset.done $0x0;
	p0 =	sne.s32 s28, $0x4E00  }
.Ltmp2:
0x54: {  	s29 =	sadd.s32 s29, s19;
	[sflag:s21] =	ssyncadd.s32 $0xFFFFC000;
	(pc) =	sbr.rel @p0 .LBB2_6-.Ltmp2, $3  }
0x55: {  	[spmem:s2] =	stream.indirect.scatter.add.f32 [tilespmem:s24], [sflag:$0x1], $0x80, s29, s23, $0xb8;
	[tilespmem:$0x1E800] =	vst v63  }
0x56: {  	s28 =	sadd.s32 $0x200, s28;
	_ =	sdelay $0x1  }
0x57: {  	_ =	swait.ge [sflag:s21], $0x4000  }
0x58: {  	[sflag:s21] =	ssyncset.done $0x0  }
0x59: {  	[sflag:s21] =	ssyncadd.s32 $0xFFFFC000  }
0x5a: {  	s28 =	simm.s32 $0x0;
	[bflag:$0x0] =	sbarrier.arrive $0xFFFF  }
.LBB2_8:
0x5b: {  	s29 =	sshll.u32 s28, $0x6  }
0x5c: {  	s29 =	sadd.s32 s7, s29  }
0x5d: {  	s29 =	sshll.u32 s29, $0x7  }
0x5e: {  	s30 =	sand.u32 $0x3FFFFF80, s29  }
0x5f: {  	s30 =	sadd.s32 s30, s2  }
0x60: {  	[tilespmem:s20], [sflag:$0x1] =	stream.linear.gather [spmem:s30], $0x2000, $0x38;
	[tilespmem:$0x1E800] =	vst v63  }
0x61: {  	_ =	swait.ge [sflag:s21], $0x2000  }
0x62: {  	[sflag:s21] =	ssyncset.done $0x0  }
0x63: {  	s30 =	simm.s32 $0x0;
	[sflag:s21] =	ssyncadd.s32 $0xFFFFE000  }
0x64: {  	s31 =	simm.s32 $0x200;
	v2 =	vld [tilespmem:s30+$0x1A800]  }
.LBB2_9:
0x65: {  	p0 =	sne.s32 s31, $0x7E00  }
.Ltmp3:
0x66: {  	_ = 	snop;
	(pc) =	sbr.rel @p0 .LBB2_9-.Ltmp3, $3  }
0x67: {  	_ =	sdelay $0x1  }
0x68: {  	[tilespmem:s30+$0x1C800] =	vst v2;
	s30 =	sshra.s32 s31, $0x2;
	s31 =	sadd.s32 $0x200, s31  }
0x69: {  	v2 =	vld [tilespmem:s30+$0x1A800]  }
0x6a: {  	_ =	sdelay $0x1  }
0x6b: {  	s29 =	sadd.s32 s8, s29;
	s28 =	sadd.s32 $0x1, s28  }
0x6c: {  	s29 =	sshrl.u32 s29, $0x3;
	p0 =	sne.s32 s28, $0xA  }
.Ltmp4:
0x6d: {  	s29 =	sadd.s32 s4, s29;
	[tilespmem:s30+$0x1C800] =	vst v2;
	(pc) =	sbr.rel @p0 .LBB2_8-.Ltmp4, $4  }
0x6e: {  	[hbm4b:s29+s3] =	stream.linear.scatter [tilespmem:s25], [sflag:$0x1], $0x2000, $0x38;
	[tilespmem:$0x1E800] =	vst v63  }
0x6f: {  	_ =	swait.ge [sflag:s21], $0x2000  }
0x70: {  	[sflag:s21] =	ssyncset.done $0x0  }
0x71: {  	[sflag:s21] =	ssyncadd.s32 $0xFFFFE000  }
0x72: {  	s26 =	sadd.s32 $0x1, s26  }
0x73: {  	p0 =	sne.s32 s26, s9  }
.Ltmp5:
0x74: {  	_ = 	snop;
	(pc) =	sbr.rel @p0 .LBB2_1-.Ltmp5, $1  }
0x75: {  	_ =	sdelay $0x3  }
0x76: {  	_ =	sfence.sel $0x180000  }
0x77: {  	[bflag:$0x0] =	sbarrier.arrive $0xFFFF  }
0x78: {  	p0 =	sne.s32 s1, $0x0;
	_ =	strace $0x90000047  }
0x79: {  	s0 =	sadd.s32 @!p0 $0x100000, s0;
	[bflag:$0x2] =	sbarrier.arrive $0xFFFF  }
0x7a: {  	[sflag:s0] =	ssyncadd.tile.s32 @!p0 $0x1;
	_ =	shalt  }
.Lfunc_end2:
_tile_overlayer_lowered:
.L_overlay_start_2:
0x7b: {  	(tag) =	ssettag $0x2  }
0x7c: {  	s0 =	rddreg [dreg:$0x0];
	s2 =	stileid.u32  }
0x7d: {  	s1 =	rddreg [dreg:$0x1];
	p0 =	sne.s32 s2, $0x0  }
0x7e: {  	s3 =	rddreg [dreg:$0x2];
	[bflag:$0x3] =	sbarrier.arrive $0xFFFF;
	s2 =	simm.s32 @!p0 $0x1C01  }
0x7f: {  	[timem:s3], [sflag:s2] =	dma.local @!p0 [hbm:s0], s1  }
0x80: {  	s0 =	simm.s32 @!p0 $0x1  }
0x81: {  	_ =	swait.ge @!p0 [sflag:s0], s1  }
0x82: {  	s1 =	ssub.s32 @!p0 $0x0, s1;
	[sflag:s0] =	ssyncset.done @!p0 $0x0  }
0x83: {  	[sflag:s0] =	ssyncadd.s32 @!p0 s1  }
0x84: {  	[bflag:$0x3] =	sbarrier.arrive $0xFFFF  }
0x85: {  	_ =	shalt  }

</sc_bundles>
